<compile_context>
chip_gen: v7x
topology: tpu7x:2x2x1
jax: 0.10.2.dev20260603
libtpu: 0.0.44.dev20260713+nightly
codegen_flags: <defaults>
</compile_context>

<pallas_src>
import functools

import jax
import jax.numpy as jnp
from jax import lax
from jax.experimental import pallas as pl
from jax.experimental.pallas import tpu as pltpu
from jax.experimental.pallas import tpu_sc as plsc

N_ROWS = 1_000_000
LANES = 128
MAIN = 999_936
TAIL = N_ROWS - MAIN
PADW = 7813 * LANES
W = 62 * LANES
NBLK = MAIN // W
VECS = W // 16

_NC, _NS = 2, 16
NW = _NC * _NS


def _body(x_hbm, t_hbm, m_hbm, o_hbm, to_hbm,
          xv0, xv1, yv0, yv1, tv, tw, mv, si0, si1, so0, so1):
    wid = lax.axis_index("s") * _NC + lax.axis_index("c")

    def start_in(i, buf, sem):
        base = (i * NW + wid) * W
        return pltpu.async_copy(x_hbm.at[:, pl.ds(base, W)], buf, sem)

    def start_out(i, buf, sem):
        base = (i * NW + wid) * W
        return pltpu.async_copy(buf, o_hbm.at[:, pl.ds(base, W)], sem)

    h_in0 = start_in(0, xv0, si0)
    h_in1 = start_in(1, xv1, si1)
    pltpu.sync_copy(m_hbm, mv)
    mvec = mv[...]
    m = [mvec[i] for i in range(9)]

    def compute(src, dst, width, unroll=8):
        @plsc.parallel_loop(0, width, step=16, unroll=unroll)
        def _(s):
            x0 = src[0, pl.ds(s, 16)]
            x1 = src[1, pl.ds(s, 16)]
            x2 = src[2, pl.ds(s, 16)]
            dst[0, pl.ds(s, 16)] = m[0] * x0 + m[1] * x1 + m[2] * x2
            dst[1, pl.ds(s, 16)] = m[3] * x0 + m[4] * x1 + m[5] * x2
            dst[2, pl.ds(s, 16)] = m[6] * x0 + m[7] * x1 + m[8] * x2

    h_in0.wait()
    compute(xv0, yv0, W)
    h_out0 = start_out(0, yv0, so0)
    h_in2 = start_in(2, xv0, si0)
    h_in1.wait()
    compute(xv1, yv1, W)
    h_out1 = start_out(1, yv1, so1)
    h_in2.wait()
    h_out0.wait()
    compute(xv0, yv0, W)
    h_out2 = start_out(2, yv0, so0)
    h_out1.wait()

    @pl.when(wid < NBLK - 3 * NW)
    def _():
        start_in(3, xv1, si1).wait()
        compute(xv1, yv1, W)
        start_out(3, yv1, so1).wait()

    @pl.when(wid == NW - 1)
    def _():
        pltpu.sync_copy(t_hbm, tv)
        compute(tv, tw, TAIL, unroll=4)
        pltpu.sync_copy(tw, to_hbm)

    h_out2.wait()


_sc_call = functools.partial(
    pl.kernel,
    out_type=(
        jax.ShapeDtypeStruct((3, N_ROWS), jnp.float32),
        jax.ShapeDtypeStruct((3, TAIL), jnp.float32),
    ),
    mesh=plsc.VectorSubcoreMesh(core_axis_name="c", subcore_axis_name="s"),
    scratch_types=[
        pltpu.VMEM((3, W), jnp.float32),
        pltpu.VMEM((3, W), jnp.float32),
        pltpu.VMEM((3, W), jnp.float32),
        pltpu.VMEM((3, W), jnp.float32),
        pltpu.VMEM((3, TAIL), jnp.float32),
        pltpu.VMEM((3, TAIL), jnp.float32),
        pltpu.VMEM((16,), jnp.float32),
        pltpu.SemaphoreType.DMA,
        pltpu.SemaphoreType.DMA,
        pltpu.SemaphoreType.DMA,
        pltpu.SemaphoreType.DMA,
    ],
    compiler_params=pltpu.CompilerParams(needs_layout_passes=False),
)(_body)


def kernel(sp_mat, mat):
    xt = sp_mat.T
    tail_in = lax.slice(xt, (0, MAIN), (3, N_ROWS))
    m16 = jnp.zeros((16,), jnp.float32).at[:9].set(mat.reshape(-1))
    out_t, tail_out = _sc_call(xt, tail_in, m16)
    out_t = lax.dynamic_update_slice(out_t, tail_out, (0, MAIN))
    return out_t.T

# --- scband reference (transcript-rebuilt; emitter-appended) ---
"""Pipeline reference for scband-my-model-61933428413920 (READ-ONLY COPY).

The authoritative reference and input builder live on the scoring server;
editing this copy changes nothing except your own understanding.
"""

import jax, jax.numpy as jnp
import numpy as np


def setup_inputs(seed: int = 0) -> dict:
    key = jax.random.key(seed)
    k1, k2 = jax.random.split(key)
    N = 1000000
    # sparse matrix represented densely; torch.sparse.mm computes the same math
    sp_mat = jax.random.normal(k1, (N, 3), dtype=jnp.float32)
    # emulate sparsity pattern (~10% nnz) so values match a realistic sparse operand
    mask = jax.random.uniform(k2, (N, 3)) < 0.1
    sp_mat = jnp.where(mask, sp_mat, 0.0)
    # learned parameter, initialized to ones as in the torch module
    mat = jnp.ones((3, 3), dtype=jnp.float32)
    return {"sp_mat": sp_mat, "mat": mat}


def reference(sp_mat, mat):
    # res = torch.sparse.mm(sp_mat, self.mat.t())
    res = sp_mat @ mat.T
    return res

if __name__ == "__main__":
    import jax
    _d = setup_inputs()
    print(jax.jit(kernel)(*tuple(_d.values())))

</pallas_src>

<mosaic_0001>
#map = affine_map<(d0, d1) -> (0, 0)>
#map1 = affine_map<(d0, d1) -> (0)>
module attributes {stable_mosaic.version = 14 : i64} {
  func.func @_body(%arg0: i32, %arg1: i32, %arg2: memref<3x1000000xf32, #tpu.memory_space<hbm>>, %arg3: memref<3x64xf32, #tpu.memory_space<hbm>>, %arg4: memref<16xf32, #tpu.memory_space<hbm>>, %arg5: memref<3x1000000xf32, #tpu.memory_space<hbm>>, %arg6: memref<3x64xf32, #tpu.memory_space<hbm>>, %arg7: memref<3x7936xf32, #tpu.memory_space<vmem>>, %arg8: memref<3x7936xf32, #tpu.memory_space<vmem>>, %arg9: memref<3x7936xf32, #tpu.memory_space<vmem>>, %arg10: memref<3x7936xf32, #tpu.memory_space<vmem>>, %arg11: memref<3x64xf32, #tpu.memory_space<vmem>>, %arg12: memref<3x64xf32, #tpu.memory_space<vmem>>, %arg13: memref<16xf32, #tpu.memory_space<vmem>>, %arg14: memref<!tpu.dma_semaphore, #tpu.memory_space<semaphore_mem>>, %arg15: memref<!tpu.dma_semaphore, #tpu.memory_space<semaphore_mem>>, %arg16: memref<!tpu.dma_semaphore, #tpu.memory_space<semaphore_mem>>, %arg17: memref<!tpu.dma_semaphore, #tpu.memory_space<semaphore_mem>>) attributes {dimension_semantics = [#tpu.dimension_semantics<core_parallel>, #tpu.dimension_semantics<subcore_parallel>], iteration_bounds = array<i64: 2, 16>, scalar_prefetch = 0 : i64, scratch_operands = 11 : i64, tpu.core_type = #tpu.core_type<sc_vector_subcore>, window_params = [{transform_indices = #map}, {transform_indices = #map}, {transform_indices = #map1}, {transform_indices = #map}, {transform_indices = #map}]} {
    %mul3A = arith.constant 2 : i32
    %mul3A_0 = arith.muli %arg1, %mul3A : i32
    %add3A = arith.addi %mul3A_0, %arg0 : i32
    %add3A_1 = arith.constant 0 : i32
    %add3A_2 = arith.addi %add3A_1, %add3A : i32
    %mul3A_3 = arith.constant 7936 : i32
    %mul3A_4 = arith.muli %add3A_2, %mul3A_3 : i32
    %dma_start3A = arith.constant 0 : i32
    %dma_start3A_5 = tpu.memref_slice %arg2[%dma_start3A, %mul3A_4] : memref<3x1000000xf32, #tpu.memory_space<hbm>> -> memref<3x7936xf32, #tpu.memory_space<hbm>>
    %dma_start3A_6 = arith.constant 0 : i32
    %dma_start3A_7 = tpu.memref_slice %arg2[%dma_start3A_6, %mul3A_4] : memref<3x1000000xf32, #tpu.memory_space<hbm>> -> memref<3x7936xf32, #tpu.memory_space<hbm>>
    tpu.enqueue_dma source(%dma_start3A_7 : memref<3x7936xf32, #tpu.memory_space<hbm>>) target(%arg7 : memref<3x7936xf32, #tpu.memory_space<vmem>>) target_semaphore(%arg14 : memref<!tpu.dma_semaphore, #tpu.memory_space<semaphore_mem>>)
    %add3A_8 = arith.constant 32 : i32
    %add3A_9 = arith.addi %add3A_8, %add3A : i32
    %mul3A_10 = arith.constant 7936 : i32
    %mul3A_11 = arith.muli %add3A_9, %mul3A_10 : i32
    %dma_start3A_12 = arith.constant 0 : i32
    %dma_start3A_13 = tpu.memref_slice %arg2[%dma_start3A_12, %mul3A_11] : memref<3x1000000xf32, #tpu.memory_space<hbm>> -> memref<3x7936xf32, #tpu.memory_space<hbm>>
    %dma_start3A_14 = arith.constant 0 : i32
    %dma_start3A_15 = tpu.memref_slice %arg2[%dma_start3A_14, %mul3A_11] : memref<3x1000000xf32, #tpu.memory_space<hbm>> -> memref<3x7936xf32, #tpu.memory_space<hbm>>
    tpu.enqueue_dma source(%dma_start3A_15 : memref<3x7936xf32, #tpu.memory_space<hbm>>) target(%arg8 : memref<3x7936xf32, #tpu.memory_space<vmem>>) target_semaphore(%arg15 : memref<!tpu.dma_semaphore, #tpu.memory_space<semaphore_mem>>)
    "tpu.region"() ({
      %run_scoped3A = tpu.sem_alloc : memref<!tpu.dma_semaphore, #tpu.memory_space<semaphore_mem>>
      tpu.enqueue_dma source(%arg4 : memref<16xf32, #tpu.memory_space<hbm>>) target(%arg13 : memref<16xf32, #tpu.memory_space<vmem>>) target_semaphore(%run_scoped3A : memref<!tpu.dma_semaphore, #tpu.memory_space<semaphore_mem>>)
      tpu.wait_dma2 semaphore(%run_scoped3A : memref<!tpu.dma_semaphore, #tpu.memory_space<semaphore_mem>>) src(%arg4 : memref<16xf32, #tpu.memory_space<hbm>>) dst(%arg13 : memref<16xf32, #tpu.memory_space<vmem>>)
      tpu.yield
    }) : () -> ()
    %get3A = arith.constant 0 : index
    %get3A_16 = tpu.vector_load %arg13[%get3A] {strides = array<i32>} : memref<16xf32, #tpu.memory_space<vmem>>, vector<16xf32>,
    %slice3A = vector.extract_strided_slice %get3A_16 {offsets = [0], sizes = [1], strides = [1]} : vector<16xf32> to vector<1xf32>
    %squeeze3A = vector.extract %slice3A[0] : f32 from vector<1xf32>
    %slice3A_17 = vector.extract_strided_slice %get3A_16 {offsets = [1], sizes = [1], strides = [1]} : vector<16xf32> to vector<1xf32>
    %squeeze3A_18 = vector.extract %slice3A_17[0] : f32 from vector<1xf32>
    %slice3A_19 = vector.extract_strided_slice %get3A_16 {offsets = [2], sizes = [1], strides = [1]} : vector<16xf32> to vector<1xf32>
    %squeeze3A_20 = vector.extract %slice3A_19[0] : f32 from vector<1xf32>
    %slice3A_21 = vector.extract_strided_slice %get3A_16 {offsets = [3], sizes = [1], strides = [1]} : vector<16xf32> to vector<1xf32>
    %squeeze3A_22 = vector.extract %slice3A_21[0] : f32 from vector<1xf32>
    %slice3A_23 = vector.extract_strided_slice %get3A_16 {offsets = [4], sizes = [1], strides = [1]} : vector<16xf32> to vector<1xf32>
    %squeeze3A_24 = vector.extract %slice3A_23[0] : f32 from vector<1xf32>
    %slice3A_25 = vector.extract_strided_slice %get3A_16 {offsets = [5], sizes = [1], strides = [1]} : vector<16xf32> to vector<1xf32>
    %squeeze3A_26 = vector.extract %slice3A_25[0] : f32 from vector<1xf32>
    %slice3A_27 = vector.extract_strided_slice %get3A_16 {offsets = [6], sizes = [1], strides = [1]} : vector<16xf32> to vector<1xf32>
    %squeeze3A_28 = vector.extract %slice3A_27[0] : f32 from vector<1xf32>
    %slice3A_29 = vector.extract_strided_slice %get3A_16 {offsets = [7], sizes = [1], strides = [1]} : vector<16xf32> to vector<1xf32>
    %squeeze3A_30 = vector.extract %slice3A_29[0] : f32 from vector<1xf32>
    %slice3A_31 = vector.extract_strided_slice %get3A_16 {offsets = [8], sizes = [1], strides = [1]} : vector<16xf32> to vector<1xf32>
    %squeeze3A_32 = vector.extract %slice3A_31[0] : f32 from vector<1xf32>
    %dma_wait3A = arith.constant 0 : i32
    %dma_wait3A_33 = tpu.memref_slice %arg2[%dma_wait3A, %mul3A_4] : memref<3x1000000xf32, #tpu.memory_space<hbm>> -> memref<3x7936xf32, #tpu.memory_space<hbm>>
    %dma_wait3A_34 = arith.constant 0 : i32
    %dma_wait3A_35 = tpu.memref_slice %arg2[%dma_wait3A_34, %mul3A_4] : memref<3x1000000xf32, #tpu.memory_space<hbm>> -> memref<3x7936xf32, #tpu.memory_space<hbm>>
    tpu.wait_dma2 semaphore(%arg14 : memref<!tpu.dma_semaphore, #tpu.memory_space<semaphore_mem>>) src(%dma_wait3A_35 : memref<3x7936xf32, #tpu.memory_space<hbm>>) dst(%arg7 : memref<3x7936xf32, #tpu.memory_space<vmem>>)
    %parallel_loop3A = arith.constant 0 : i32
    %parallel_loop3A_36 = arith.constant 7936 : i32
    %parallel_loop3A_37 = arith.constant 16 : i32
    scf.for %parallel_loop3A_102 = %parallel_loop3A to %parallel_loop3A_36 step %parallel_loop3A_37  : i32 {
      %parallel_loop3A_103 = arith.constant 0 : i32
      %parallel_loop3A_104 = arith.index_cast %parallel_loop3A_103 : i32 to index
      %parallel_loop3A_105 = arith.index_cast %parallel_loop3A_102 : i32 to index
      %parallel_loop3A_106 = tpu.vector_load %arg7[%parallel_loop3A_104, %parallel_loop3A_105] {strides = array<i32>} : memref<3x7936xf32, #tpu.memory_space<vmem>>, vector<16xf32>,
      %parallel_loop3A_107 = arith.constant 1 : i32
      %parallel_loop3A_108 = arith.index_cast %parallel_loop3A_107 : i32 to index
      %parallel_loop3A_109 = arith.index_cast %parallel_loop3A_102 : i32 to index
      %parallel_loop3A_110 = tpu.vector_load %arg7[%parallel_loop3A_108, %parallel_loop3A_109] {strides = array<i32>} : memref<3x7936xf32, #tpu.memory_space<vmem>>, vector<16xf32>,
      %parallel_loop3A_111 = arith.constant 2 : i32
      %parallel_loop3A_112 = arith.index_cast %parallel_loop3A_111 : i32 to index
      %parallel_loop3A_113 = arith.index_cast %parallel_loop3A_102 : i32 to index
      %parallel_loop3A_114 = tpu.vector_load %arg7[%parallel_loop3A_112, %parallel_loop3A_113] {strides = array<i32>} : memref<3x7936xf32, #tpu.memory_space<vmem>>, vector<16xf32>,
      %parallel_loop3A_115 = vector.broadcast %squeeze3A : f32 to vector<16xf32>
      %parallel_loop3A_116 = arith.mulf %parallel_loop3A_115, %parallel_loop3A_106 : vector<16xf32>
      %parallel_loop3A_117 = vector.broadcast %squeeze3A_18 : f32 to vector<16xf32>
      %parallel_loop3A_118 = arith.mulf %parallel_loop3A_117, %parallel_loop3A_110 : vector<16xf32>
      %parallel_loop3A_119 = arith.addf %parallel_loop3A_116, %parallel_loop3A_118 : vector<16xf32>
      %parallel_loop3A_120 = vector.broadcast %squeeze3A_20 : f32 to vector<16xf32>
      %parallel_loop3A_121 = arith.mulf %parallel_loop3A_120, %parallel_loop3A_114 : vector<16xf32>
      %parallel_loop3A_122 = arith.addf %parallel_loop3A_119, %parallel_loop3A_121 : vector<16xf32>
      %parallel_loop3A_123 = arith.constant 0 : i32
      %parallel_loop3A_124 = arith.index_cast %parallel_loop3A_123 : i32 to index
      %parallel_loop3A_125 = arith.index_cast %parallel_loop3A_102 : i32 to index
      %parallel_loop3A_126 = tpu.vector_load %arg9[%parallel_loop3A_124, %parallel_loop3A_125] {strides = array<i32>} : memref<3x7936xf32, #tpu.memory_space<vmem>>, vector<16xf32>,
      tpu.vector_store %arg9[%parallel_loop3A_124, %parallel_loop3A_125], %parallel_loop3A_122 {strides = array<i32>} : memref<3x7936xf32, #tpu.memory_space<vmem>>, vector<16xf32>,
      %parallel_loop3A_127 = vector.broadcast %squeeze3A_22 : f32 to vector<16xf32>
      %parallel_loop3A_128 = arith.mulf %parallel_loop3A_127, %parallel_loop3A_106 : vector<16xf32>
      %parallel_loop3A_129 = vector.broadcast %squeeze3A_24 : f32 to vector<16xf32>
      %parallel_loop3A_130 = arith.mulf %parallel_loop3A_129, %parallel_loop3A_110 : vector<16xf32>
      %parallel_loop3A_131 = arith.addf %parallel_loop3A_128, %parallel_loop3A_130 : vector<16xf32>
      %parallel_loop3A_132 = vector.broadcast %squeeze3A_26 : f32 to vector<16xf32>
      %parallel_loop3A_133 = arith.mulf %parallel_loop3A_132, %parallel_loop3A_114 : vector<16xf32>
      %parallel_loop3A_134 = arith.addf %parallel_loop3A_131, %parallel_loop3A_133 : vector<16xf32>
      %parallel_loop3A_135 = arith.constant 1 : i32
      %parallel_loop3A_136 = arith.index_cast %parallel_loop3A_135 : i32 to index
      %parallel_loop3A_137 = arith.index_cast %parallel_loop3A_102 : i32 to index
      %parallel_loop3A_138 = tpu.vector_load %arg9[%parallel_loop3A_136, %parallel_loop3A_137] {strides = array<i32>} : memref<3x7936xf32, #tpu.memory_space<vmem>>, vector<16xf32>,
      tpu.vector_store %arg9[%parallel_loop3A_136, %parallel_loop3A_137], %parallel_loop3A_134 {strides = array<i32>} : memref<3x7936xf32, #tpu.memory_space<vmem>>, vector<16xf32>,
      %parallel_loop3A_139 = vector.broadcast %squeeze3A_28 : f32 to vector<16xf32>
      %parallel_loop3A_140 = arith.mulf %parallel_loop3A_139, %parallel_loop3A_106 : vector<16xf32>
      %parallel_loop3A_141 = vector.broadcast %squeeze3A_30 : f32 to vector<16xf32>
      %parallel_loop3A_142 = arith.mulf %parallel_loop3A_141, %parallel_loop3A_110 : vector<16xf32>
      %parallel_loop3A_143 = arith.addf %parallel_loop3A_140, %parallel_loop3A_142 : vector<16xf32>
      %parallel_loop3A_144 = vector.broadcast %squeeze3A_32 : f32 to vector<16xf32>
      %parallel_loop3A_145 = arith.mulf %parallel_loop3A_144, %parallel_loop3A_114 : vector<16xf32>
      %parallel_loop3A_146 = arith.addf %parallel_loop3A_143, %parallel_loop3A_145 : vector<16xf32>
      %parallel_loop3A_147 = arith.constant 2 : i32
      %parallel_loop3A_148 = arith.index_cast %parallel_loop3A_147 : i32 to index
      %parallel_loop3A_149 = arith.index_cast %parallel_loop3A_102 : i32 to index
      %parallel_loop3A_150 = tpu.vector_load %arg9[%parallel_loop3A_148, %parallel_loop3A_149] {strides = array<i32>} : memref<3x7936xf32, #tpu.memory_space<vmem>>, vector<16xf32>,
      tpu.vector_store %arg9[%parallel_loop3A_148, %parallel_loop3A_149], %parallel_loop3A_146 {strides = array<i32>} : memref<3x7936xf32, #tpu.memory_space<vmem>>, vector<16xf32>,
    } {sc.loop_unroll_factor = 8 : i64, sc.parallel_access}
    %add3A_38 = arith.constant 0 : i32
    %add3A_39 = arith.addi %add3A_38, %add3A : i32
    %mul3A_40 = arith.constant 7936 : i32
    %mul3A_41 = arith.muli %add3A_39, %mul3A_40 : i32
    %dma_start3A_42 = arith.constant 0 : i32
    %dma_start3A_43 = tpu.memref_slice %arg5[%dma_start3A_42, %mul3A_41] : memref<3x1000000xf32, #tpu.memory_space<hbm>> -> memref<3x7936xf32, #tpu.memory_space<hbm>>
    %dma_start3A_44 = arith.constant 0 : i32
    %dma_start3A_45 = tpu.memref_slice %arg5[%dma_start3A_44, %mul3A_41] : memref<3x1000000xf32, #tpu.memory_space<hbm>> -> memref<3x7936xf32, #tpu.memory_space<hbm>>
    tpu.enqueue_dma source(%arg9 : memref<3x7936xf32, #tpu.memory_space<vmem>>) target(%dma_start3A_45 : memref<3x7936xf32, #tpu.memory_space<hbm>>) target_semaphore(%arg16 : memref<!tpu.dma_semaphore, #tpu.memory_space<semaphore_mem>>)
    %add3A_46 = arith.constant 64 : i32
    %add3A_47 = arith.addi %add3A_46, %add3A : i32
    %mul3A_48 = arith.constant 7936 : i32
    %mul3A_49 = arith.muli %add3A_47, %mul3A_48 : i32
    %dma_start3A_50 = arith.constant 0 : i32
    %dma_start3A_51 = tpu.memref_slice %arg2[%dma_start3A_50, %mul3A_49] : memref<3x1000000xf32, #tpu.memory_space<hbm>> -> memref<3x7936xf32, #tpu.memory_space<hbm>>
    %dma_start3A_52 = arith.constant 0 : i32
    %dma_start3A_53 = tpu.memref_slice %arg2[%dma_start3A_52, %mul3A_49] : memref<3x1000000xf32, #tpu.memory_space<hbm>> -> memref<3x7936xf32, #tpu.memory_space<hbm>>
    tpu.enqueue_dma source(%dma_start3A_53 : memref<3x7936xf32, #tpu.memory_space<hbm>>) target(%arg7 : memref<3x7936xf32, #tpu.memory_space<vmem>>) target_semaphore(%arg14 : memref<!tpu.dma_semaphore, #tpu.memory_space<semaphore_mem>>)
    %dma_wait3A_54 = arith.constant 0 : i32
    %dma_wait3A_55 = tpu.memref_slice %arg2[%dma_wait3A_54, %mul3A_11] : memref<3x1000000xf32, #tpu.memory_space<hbm>> -> memref<3x7936xf32, #tpu.memory_space<hbm>>
    %dma_wait3A_56 = arith.constant 0 : i32
    %dma_wait3A_57 = tpu.memref_slice %arg2[%dma_wait3A_56, %mul3A_11] : memref<3x1000000xf32, #tpu.memory_space<hbm>> -> memref<3x7936xf32, #tpu.memory_space<hbm>>
    tpu.wait_dma2 semaphore(%arg15 : memref<!tpu.dma_semaphore, #tpu.memory_space<semaphore_mem>>) src(%dma_wait3A_57 : memref<3x7936xf32, #tpu.memory_space<hbm>>) dst(%arg8 : memref<3x7936xf32, #tpu.memory_space<vmem>>)
    %parallel_loop3A_58 = arith.constant 0 : i32
    %parallel_loop3A_59 = arith.constant 7936 : i32
    %parallel_loop3A_60 = arith.constant 16 : i32
    scf.for %parallel_loop3A_102 = %parallel_loop3A_58 to %parallel_loop3A_59 step %parallel_loop3A_60  : i32 {
      %parallel_loop3A_103 = arith.constant 0 : i32
      %parallel_loop3A_104 = arith.index_cast %parallel_loop3A_103 : i32 to index
      %parallel_loop3A_105 = arith.index_cast %parallel_loop3A_102 : i32 to index
      %parallel_loop3A_106 = tpu.vector_load %arg8[%parallel_loop3A_104, %parallel_loop3A_105] {strides = array<i32>} : memref<3x7936xf32, #tpu.memory_space<vmem>>, vector<16xf32>,
      %parallel_loop3A_107 = arith.constant 1 : i32
      %parallel_loop3A_108 = arith.index_cast %parallel_loop3A_107 : i32 to index
      %parallel_loop3A_109 = arith.index_cast %parallel_loop3A_102 : i32 to index
      %parallel_loop3A_110 = tpu.vector_load %arg8[%parallel_loop3A_108, %parallel_loop3A_109] {strides = array<i32>} : memref<3x7936xf32, #tpu.memory_space<vmem>>, vector<16xf32>,
      %parallel_loop3A_111 = arith.constant 2 : i32
      %parallel_loop3A_112 = arith.index_cast %parallel_loop3A_111 : i32 to index
      %parallel_loop3A_113 = arith.index_cast %parallel_loop3A_102 : i32 to index
      %parallel_loop3A_114 = tpu.vector_load %arg8[%parallel_loop3A_112, %parallel_loop3A_113] {strides = array<i32>} : memref<3x7936xf32, #tpu.memory_space<vmem>>, vector<16xf32>,
      %parallel_loop3A_115 = vector.broadcast %squeeze3A : f32 to vector<16xf32>
      %parallel_loop3A_116 = arith.mulf %parallel_loop3A_115, %parallel_loop3A_106 : vector<16xf32>
      %parallel_loop3A_117 = vector.broadcast %squeeze3A_18 : f32 to vector<16xf32>
      %parallel_loop3A_118 = arith.mulf %parallel_loop3A_117, %parallel_loop3A_110 : vector<16xf32>
      %parallel_loop3A_119 = arith.addf %parallel_loop3A_116, %parallel_loop3A_118 : vector<16xf32>
      %parallel_loop3A_120 = vector.broadcast %squeeze3A_20 : f32 to vector<16xf32>
      %parallel_loop3A_121 = arith.mulf %parallel_loop3A_120, %parallel_loop3A_114 : vector<16xf32>
      %parallel_loop3A_122 = arith.addf %parallel_loop3A_119, %parallel_loop3A_121 : vector<16xf32>
      %parallel_loop3A_123 = arith.constant 0 : i32
      %parallel_loop3A_124 = arith.index_cast %parallel_loop3A_123 : i32 to index
      %parallel_loop3A_125 = arith.index_cast %parallel_loop3A_102 : i32 to index
      %parallel_loop3A_126 = tpu.vector_load %arg10[%parallel_loop3A_124, %parallel_loop3A_125] {strides = array<i32>} : memref<3x7936xf32, #tpu.memory_space<vmem>>, vector<16xf32>,
      tpu.vector_store %arg10[%parallel_loop3A_124, %parallel_loop3A_125], %parallel_loop3A_122 {strides = array<i32>} : memref<3x7936xf32, #tpu.memory_space<vmem>>, vector<16xf32>,
      %parallel_loop3A_127 = vector.broadcast %squeeze3A_22 : f32 to vector<16xf32>
      %parallel_loop3A_128 = arith.mulf %parallel_loop3A_127, %parallel_loop3A_106 : vector<16xf32>
      %parallel_loop3A_129 = vector.broadcast %squeeze3A_24 : f32 to vector<16xf32>
      %parallel_loop3A_130 = arith.mulf %parallel_loop3A_129, %parallel_loop3A_110 : vector<16xf32>
      %parallel_loop3A_131 = arith.addf %parallel_loop3A_128, %parallel_loop3A_130 : vector<16xf32>
      %parallel_loop3A_132 = vector.broadcast %squeeze3A_26 : f32 to vector<16xf32>
      %parallel_loop3A_133 = arith.mulf %parallel_loop3A_132, %parallel_loop3A_114 : vector<16xf32>
      %parallel_loop3A_134 = arith.addf %parallel_loop3A_131, %parallel_loop3A_133 : vector<16xf32>
      %parallel_loop3A_135 = arith.constant 1 : i32
      %parallel_loop3A_136 = arith.index_cast %parallel_loop3A_135 : i32 to index
      %parallel_loop3A_137 = arith.index_cast %parallel_loop3A_102 : i32 to index
      %parallel_loop3A_138 = tpu.vector_load %arg10[%parallel_loop3A_136, %parallel_loop3A_137] {strides = array<i32>} : memref<3x7936xf32, #tpu.memory_space<vmem>>, vector<16xf32>,
      tpu.vector_store %arg10[%parallel_loop3A_136, %parallel_loop3A_137], %parallel_loop3A_134 {strides = array<i32>} : memref<3x7936xf32, #tpu.memory_space<vmem>>, vector<16xf32>,
      %parallel_loop3A_139 = vector.broadcast %squeeze3A_28 : f32 to vector<16xf32>
      %parallel_loop3A_140 = arith.mulf %parallel_loop3A_139, %parallel_loop3A_106 : vector<16xf32>
      %parallel_loop3A_141 = vector.broadcast %squeeze3A_30 : f32 to vector<16xf32>
      %parallel_loop3A_142 = arith.mulf %parallel_loop3A_141, %parallel_loop3A_110 : vector<16xf32>
      %parallel_loop3A_143 = arith.addf %parallel_loop3A_140, %parallel_loop3A_142 : vector<16xf32>
      %parallel_loop3A_144 = vector.broadcast %squeeze3A_32 : f32 to vector<16xf32>
      %parallel_loop3A_145 = arith.mulf %parallel_loop3A_144, %parallel_loop3A_114 : vector<16xf32>
      %parallel_loop3A_146 = arith.addf %parallel_loop3A_143, %parallel_loop3A_145 : vector<16xf32>
      %parallel_loop3A_147 = arith.constant 2 : i32
      %parallel_loop3A_148 = arith.index_cast %parallel_loop3A_147 : i32 to index
      %parallel_loop3A_149 = arith.index_cast %parallel_loop3A_102 : i32 to index
      %parallel_loop3A_150 = tpu.vector_load %arg10[%parallel_loop3A_148, %parallel_loop3A_149] {strides = array<i32>} : memref<3x7936xf32, #tpu.memory_space<vmem>>, vector<16xf32>,
      tpu.vector_store %arg10[%parallel_loop3A_148, %parallel_loop3A_149], %parallel_loop3A_146 {strides = array<i32>} : memref<3x7936xf32, #tpu.memory_space<vmem>>, vector<16xf32>,
    } {sc.loop_unroll_factor = 8 : i64, sc.parallel_access}
    %add3A_61 = arith.constant 32 : i32
    %add3A_62 = arith.addi %add3A_61, %add3A : i32
    %mul3A_63 = arith.constant 7936 : i32
    %mul3A_64 = arith.muli %add3A_62, %mul3A_63 : i32
    %dma_start3A_65 = arith.constant 0 : i32
    %dma_start3A_66 = tpu.memref_slice %arg5[%dma_start3A_65, %mul3A_64] : memref<3x1000000xf32, #tpu.memory_space<hbm>> -> memref<3x7936xf32, #tpu.memory_space<hbm>>
    %dma_start3A_67 = arith.constant 0 : i32
    %dma_start3A_68 = tpu.memref_slice %arg5[%dma_start3A_67, %mul3A_64] : memref<3x1000000xf32, #tpu.memory_space<hbm>> -> memref<3x7936xf32, #tpu.memory_space<hbm>>
    tpu.enqueue_dma source(%arg10 : memref<3x7936xf32, #tpu.memory_space<vmem>>) target(%dma_start3A_68 : memref<3x7936xf32, #tpu.memory_space<hbm>>) target_semaphore(%arg17 : memref<!tpu.dma_semaphore, #tpu.memory_space<semaphore_mem>>)
    %dma_wait3A_69 = arith.constant 0 : i32
    %dma_wait3A_70 = tpu.memref_slice %arg2[%dma_wait3A_69, %mul3A_49] : memref<3x1000000xf32, #tpu.memory_space<hbm>> -> memref<3x7936xf32, #tpu.memory_space<hbm>>
    %dma_wait3A_71 = arith.constant 0 : i32
    %dma_wait3A_72 = tpu.memref_slice %arg2[%dma_wait3A_71, %mul3A_49] : memref<3x1000000xf32, #tpu.memory_space<hbm>> -> memref<3x7936xf32, #tpu.memory_space<hbm>>
    tpu.wait_dma2 semaphore(%arg14 : memref<!tpu.dma_semaphore, #tpu.memory_space<semaphore_mem>>) src(%dma_wait3A_72 : memref<3x7936xf32, #tpu.memory_space<hbm>>) dst(%arg7 : memref<3x7936xf32, #tpu.memory_space<vmem>>)
    %dma_wait3A_73 = arith.constant 0 : i32
    %dma_wait3A_74 = tpu.memref_slice %arg5[%dma_wait3A_73, %mul3A_41] : memref<3x1000000xf32, #tpu.memory_space<hbm>> -> memref<3x7936xf32, #tpu.memory_space<hbm>>
    %dma_wait3A_75 = arith.constant 0 : i32
    %dma_wait3A_76 = tpu.memref_slice %arg5[%dma_wait3A_75, %mul3A_41] : memref<3x1000000xf32, #tpu.memory_space<hbm>> -> memref<3x7936xf32, #tpu.memory_space<hbm>>
    tpu.wait_dma2 semaphore(%arg16 : memref<!tpu.dma_semaphore, #tpu.memory_space<semaphore_mem>>) src(%arg9 : memref<3x7936xf32, #tpu.memory_space<vmem>>) dst(%dma_wait3A_76 : memref<3x7936xf32, #tpu.memory_space<hbm>>)
    %parallel_loop3A_77 = arith.constant 0 : i32
    %parallel_loop3A_78 = arith.constant 7936 : i32
    %parallel_loop3A_79 = arith.constant 16 : i32
    scf.for %parallel_loop3A_102 = %parallel_loop3A_77 to %parallel_loop3A_78 step %parallel_loop3A_79  : i32 {
      %parallel_loop3A_103 = arith.constant 0 : i32
      %parallel_loop3A_104 = arith.index_cast %parallel_loop3A_103 : i32 to index
      %parallel_loop3A_105 = arith.index_cast %parallel_loop3A_102 : i32 to index
      %parallel_loop3A_106 = tpu.vector_load %arg7[%parallel_loop3A_104, %parallel_loop3A_105] {strides = array<i32>} : memref<3x7936xf32, #tpu.memory_space<vmem>>, vector<16xf32>,
      %parallel_loop3A_107 = arith.constant 1 : i32
      %parallel_loop3A_108 = arith.index_cast %parallel_loop3A_107 : i32 to index
      %parallel_loop3A_109 = arith.index_cast %parallel_loop3A_102 : i32 to index
      %parallel_loop3A_110 = tpu.vector_load %arg7[%parallel_loop3A_108, %parallel_loop3A_109] {strides = array<i32>} : memref<3x7936xf32, #tpu.memory_space<vmem>>, vector<16xf32>,
      %parallel_loop3A_111 = arith.constant 2 : i32
      %parallel_loop3A_112 = arith.index_cast %parallel_loop3A_111 : i32 to index
      %parallel_loop3A_113 = arith.index_cast %parallel_loop3A_102 : i32 to index
      %parallel_loop3A_114 = tpu.vector_load %arg7[%parallel_loop3A_112, %parallel_loop3A_113] {strides = array<i32>} : memref<3x7936xf32, #tpu.memory_space<vmem>>, vector<16xf32>,
      %parallel_loop3A_115 = vector.broadcast %squeeze3A : f32 to vector<16xf32>
      %parallel_loop3A_116 = arith.mulf %parallel_loop3A_115, %parallel_loop3A_106 : vector<16xf32>
      %parallel_loop3A_117 = vector.broadcast %squeeze3A_18 : f32 to vector<16xf32>
      %parallel_loop3A_118 = arith.mulf %parallel_loop3A_117, %parallel_loop3A_110 : vector<16xf32>
      %parallel_loop3A_119 = arith.addf %parallel_loop3A_116, %parallel_loop3A_118 : vector<16xf32>
      %parallel_loop3A_120 = vector.broadcast %squeeze3A_20 : f32 to vector<16xf32>
      %parallel_loop3A_121 = arith.mulf %parallel_loop3A_120, %parallel_loop3A_114 : vector<16xf32>
      %parallel_loop3A_122 = arith.addf %parallel_loop3A_119, %parallel_loop3A_121 : vector<16xf32>
      %parallel_loop3A_123 = arith.constant 0 : i32
      %parallel_loop3A_124 = arith.index_cast %parallel_loop3A_123 : i32 to index
      %parallel_loop3A_125 = arith.index_cast %parallel_loop3A_102 : i32 to index
      %parallel_loop3A_126 = tpu.vector_load %arg9[%parallel_loop3A_124, %parallel_loop3A_125] {strides = array<i32>} : memref<3x7936xf32, #tpu.memory_space<vmem>>, vector<16xf32>,
      tpu.vector_store %arg9[%parallel_loop3A_124, %parallel_loop3A_125], %parallel_loop3A_122 {strides = array<i32>} : memref<3x7936xf32, #tpu.memory_space<vmem>>, vector<16xf32>,
      %parallel_loop3A_127 = vector.broadcast %squeeze3A_22 : f32 to vector<16xf32>
      %parallel_loop3A_128 = arith.mulf %parallel_loop3A_127, %parallel_loop3A_106 : vector<16xf32>
      %parallel_loop3A_129 = vector.broadcast %squeeze3A_24 : f32 to vector<16xf32>
      %parallel_loop3A_130 = arith.mulf %parallel_loop3A_129, %parallel_loop3A_110 : vector<16xf32>
      %parallel_loop3A_131 = arith.addf %parallel_loop3A_128, %parallel_loop3A_130 : vector<16xf32>
      %parallel_loop3A_132 = vector.broadcast %squeeze3A_26 : f32 to vector<16xf32>
      %parallel_loop3A_133 = arith.mulf %parallel_loop3A_132, %parallel_loop3A_114 : vector<16xf32>
      %parallel_loop3A_134 = arith.addf %parallel_loop3A_131, %parallel_loop3A_133 : vector<16xf32>
      %parallel_loop3A_135 = arith.constant 1 : i32
      %parallel_loop3A_136 = arith.index_cast %parallel_loop3A_135 : i32 to index
      %parallel_loop3A_137 = arith.index_cast %parallel_loop3A_102 : i32 to index
      %parallel_loop3A_138 = tpu.vector_load %arg9[%parallel_loop3A_136, %parallel_loop3A_137] {strides = array<i32>} : memref<3x7936xf32, #tpu.memory_space<vmem>>, vector<16xf32>,
      tpu.vector_store %arg9[%parallel_loop3A_136, %parallel_loop3A_137], %parallel_loop3A_134 {strides = array<i32>} : memref<3x7936xf32, #tpu.memory_space<vmem>>, vector<16xf32>,
      %parallel_loop3A_139 = vector.broadcast %squeeze3A_28 : f32 to vector<16xf32>
      %parallel_loop3A_140 = arith.mulf %parallel_loop3A_139, %parallel_loop3A_106 : vector<16xf32>
      %parallel_loop3A_141 = vector.broadcast %squeeze3A_30 : f32 to vector<16xf32>
      %parallel_loop3A_142 = arith.mulf %parallel_loop3A_141, %parallel_loop3A_110 : vector<16xf32>
      %parallel_loop3A_143 = arith.addf %parallel_loop3A_140, %parallel_loop3A_142 : vector<16xf32>
      %parallel_loop3A_144 = vector.broadcast %squeeze3A_32 : f32 to vector<16xf32>
      %parallel_loop3A_145 = arith.mulf %parallel_loop3A_144, %parallel_loop3A_114 : vector<16xf32>
      %parallel_loop3A_146 = arith.addf %parallel_loop3A_143, %parallel_loop3A_145 : vector<16xf32>
      %parallel_loop3A_147 = arith.constant 2 : i32
      %parallel_loop3A_148 = arith.index_cast %parallel_loop3A_147 : i32 to index
      %parallel_loop3A_149 = arith.index_cast %parallel_loop3A_102 : i32 to index
      %parallel_loop3A_150 = tpu.vector_load %arg9[%parallel_loop3A_148, %parallel_loop3A_149] {strides = array<i32>} : memref<3x7936xf32, #tpu.memory_space<vmem>>, vector<16xf32>,
      tpu.vector_store %arg9[%parallel_loop3A_148, %parallel_loop3A_149], %parallel_loop3A_146 {strides = array<i32>} : memref<3x7936xf32, #tpu.memory_space<vmem>>, vector<16xf32>,
    } {sc.loop_unroll_factor = 8 : i64, sc.parallel_access}
    %add3A_80 = arith.constant 64 : i32
    %add3A_81 = arith.addi %add3A_80, %add3A : i32
    %mul3A_82 = arith.constant 7936 : i32
    %mul3A_83 = arith.muli %add3A_81, %mul3A_82 : i32
    %dma_start3A_84 = arith.constant 0 : i32
    %dma_start3A_85 = tpu.memref_slice %arg5[%dma_start3A_84, %mul3A_83] : memref<3x1000000xf32, #tpu.memory_space<hbm>> -> memref<3x7936xf32, #tpu.memory_space<hbm>>
    %dma_start3A_86 = arith.constant 0 : i32
    %dma_start3A_87 = tpu.memref_slice %arg5[%dma_start3A_86, %mul3A_83] : memref<3x1000000xf32, #tpu.memory_space<hbm>> -> memref<3x7936xf32, #tpu.memory_space<hbm>>
    tpu.enqueue_dma source(%arg9 : memref<3x7936xf32, #tpu.memory_space<vmem>>) target(%dma_start3A_87 : memref<3x7936xf32, #tpu.memory_space<hbm>>) target_semaphore(%arg16 : memref<!tpu.dma_semaphore, #tpu.memory_space<semaphore_mem>>)
    %dma_wait3A_88 = arith.constant 0 : i32
    %dma_wait3A_89 = tpu.memref_slice %arg5[%dma_wait3A_88, %mul3A_64] : memref<3x1000000xf32, #tpu.memory_space<hbm>> -> memref<3x7936xf32, #tpu.memory_space<hbm>>
    %dma_wait3A_90 = arith.constant 0 : i32
    %dma_wait3A_91 = tpu.memref_slice %arg5[%dma_wait3A_90, %mul3A_64] : memref<3x1000000xf32, #tpu.memory_space<hbm>> -> memref<3x7936xf32, #tpu.memory_space<hbm>>
    tpu.wait_dma2 semaphore(%arg17 : memref<!tpu.dma_semaphore, #tpu.memory_space<semaphore_mem>>) src(%arg10 : memref<3x7936xf32, #tpu.memory_space<vmem>>) dst(%dma_wait3A_91 : memref<3x7936xf32, #tpu.memory_space<hbm>>)
    %lt3A = arith.constant 30 : i32
    %lt3A_92 = arith.cmpi slt, %add3A, %lt3A : i32
    %convert_element_type3A = arith.extui %lt3A_92 : i1 to i32
    %cond3A = arith.constant 0 : i32
    %cond3A_93 = arith.cmpi ne, %convert_element_type3A, %cond3A : i32
    scf.if %cond3A_93 {
      %add3A_102 = arith.constant 96 : i32
      %add3A_103 = arith.addi %add3A_102, %add3A : i32
      %mul3A_104 = arith.constant 7936 : i32
      %mul3A_105 = arith.muli %add3A_103, %mul3A_104 : i32
      %dma_start3A_106 = arith.constant 0 : i32
      %dma_start3A_107 = tpu.memref_slice %arg2[%dma_start3A_106, %mul3A_105] : memref<3x1000000xf32, #tpu.memory_space<hbm>> -> memref<3x7936xf32, #tpu.memory_space<hbm>>
      %dma_start3A_108 = arith.constant 0 : i32
      %dma_start3A_109 = tpu.memref_slice %arg2[%dma_start3A_108, %mul3A_105] : memref<3x1000000xf32, #tpu.memory_space<hbm>> -> memref<3x7936xf32, #tpu.memory_space<hbm>>
      tpu.enqueue_dma source(%dma_start3A_109 : memref<3x7936xf32, #tpu.memory_space<hbm>>) target(%arg8 : memref<3x7936xf32, #tpu.memory_space<vmem>>) target_semaphore(%arg15 : memref<!tpu.dma_semaphore, #tpu.memory_space<semaphore_mem>>)
      %dma_wait3A_110 = arith.constant 0 : i32
      %dma_wait3A_111 = tpu.memref_slice %arg2[%dma_wait3A_110, %mul3A_105] : memref<3x1000000xf32, #tpu.memory_space<hbm>> -> memref<3x7936xf32, #tpu.memory_space<hbm>>
      %dma_wait3A_112 = arith.constant 0 : i32
      %dma_wait3A_113 = tpu.memref_slice %arg2[%dma_wait3A_112, %mul3A_105] : memref<3x1000000xf32, #tpu.memory_space<hbm>> -> memref<3x7936xf32, #tpu.memory_space<hbm>>
      tpu.wait_dma2 semaphore(%arg15 : memref<!tpu.dma_semaphore, #tpu.memory_space<semaphore_mem>>) src(%dma_wait3A_113 : memref<3x7936xf32, #tpu.memory_space<hbm>>) dst(%arg8 : memref<3x7936xf32, #tpu.memory_space<vmem>>)
      %parallel_loop3A_114 = arith.constant 0 : i32
      %parallel_loop3A_115 = arith.constant 7936 : i32
      %parallel_loop3A_116 = arith.constant 16 : i32
      scf.for %parallel_loop3A_129 = %parallel_loop3A_114 to %parallel_loop3A_115 step %parallel_loop3A_116  : i32 {
        %parallel_loop3A_130 = arith.constant 0 : i32
        %parallel_loop3A_131 = arith.index_cast %parallel_loop3A_130 : i32 to index
        %parallel_loop3A_132 = arith.index_cast %parallel_loop3A_129 : i32 to index
        %parallel_loop3A_133 = tpu.vector_load %arg8[%parallel_loop3A_131, %parallel_loop3A_132] {strides = array<i32>} : memref<3x7936xf32, #tpu.memory_space<vmem>>, vector<16xf32>,
        %parallel_loop3A_134 = arith.constant 1 : i32
        %parallel_loop3A_135 = arith.index_cast %parallel_loop3A_134 : i32 to index
        %parallel_loop3A_136 = arith.index_cast %parallel_loop3A_129 : i32 to index
        %parallel_loop3A_137 = tpu.vector_load %arg8[%parallel_loop3A_135, %parallel_loop3A_136] {strides = array<i32>} : memref<3x7936xf32, #tpu.memory_space<vmem>>, vector<16xf32>,
        %parallel_loop3A_138 = arith.constant 2 : i32
        %parallel_loop3A_139 = arith.index_cast %parallel_loop3A_138 : i32 to index
        %parallel_loop3A_140 = arith.index_cast %parallel_loop3A_129 : i32 to index
        %parallel_loop3A_141 = tpu.vector_load %arg8[%parallel_loop3A_139, %parallel_loop3A_140] {strides = array<i32>} : memref<3x7936xf32, #tpu.memory_space<vmem>>, vector<16xf32>,
        %parallel_loop3A_142 = vector.broadcast %squeeze3A : f32 to vector<16xf32>
        %parallel_loop3A_143 = arith.mulf %parallel_loop3A_142, %parallel_loop3A_133 : vector<16xf32>
        %parallel_loop3A_144 = vector.broadcast %squeeze3A_18 : f32 to vector<16xf32>
        %parallel_loop3A_145 = arith.mulf %parallel_loop3A_144, %parallel_loop3A_137 : vector<16xf32>
        %parallel_loop3A_146 = arith.addf %parallel_loop3A_143, %parallel_loop3A_145 : vector<16xf32>
        %parallel_loop3A_147 = vector.broadcast %squeeze3A_20 : f32 to vector<16xf32>
        %parallel_loop3A_148 = arith.mulf %parallel_loop3A_147, %parallel_loop3A_141 : vector<16xf32>
        %parallel_loop3A_149 = arith.addf %parallel_loop3A_146, %parallel_loop3A_148 : vector<16xf32>
        %parallel_loop3A_150 = arith.constant 0 : i32
        %parallel_loop3A_151 = arith.index_cast %parallel_loop3A_150 : i32 to index
        %parallel_loop3A_152 = arith.index_cast %parallel_loop3A_129 : i32 to index
        %parallel_loop3A_153 = tpu.vector_load %arg10[%parallel_loop3A_151, %parallel_loop3A_152] {strides = array<i32>} : memref<3x7936xf32, #tpu.memory_space<vmem>>, vector<16xf32>,
        tpu.vector_store %arg10[%parallel_loop3A_151, %parallel_loop3A_152], %parallel_loop3A_149 {strides = array<i32>} : memref<3x7936xf32, #tpu.memory_space<vmem>>, vector<16xf32>,
        %parallel_loop3A_154 = vector.broadcast %squeeze3A_22 : f32 to vector<16xf32>
        %parallel_loop3A_155 = arith.mulf %parallel_loop3A_154, %parallel_loop3A_133 : vector<16xf32>
        %parallel_loop3A_156 = vector.broadcast %squeeze3A_24 : f32 to vector<16xf32>
        %parallel_loop3A_157 = arith.mulf %parallel_loop3A_156, %parallel_loop3A_137 : vector<16xf32>
        %parallel_loop3A_158 = arith.addf %parallel_loop3A_155, %parallel_loop3A_157 : vector<16xf32>
        %parallel_loop3A_159 = vector.broadcast %squeeze3A_26 : f32 to vector<16xf32>
        %parallel_loop3A_160 = arith.mulf %parallel_loop3A_159, %parallel_loop3A_141 : vector<16xf32>
        %parallel_loop3A_161 = arith.addf %parallel_loop3A_158, %parallel_loop3A_160 : vector<16xf32>
        %parallel_loop3A_162 = arith.constant 1 : i32
        %parallel_loop3A_163 = arith.index_cast %parallel_loop3A_162 : i32 to index
        %parallel_loop3A_164 = arith.index_cast %parallel_loop3A_129 : i32 to index
        %parallel_loop3A_165 = tpu.vector_load %arg10[%parallel_loop3A_163, %parallel_loop3A_164] {strides = array<i32>} : memref<3x7936xf32, #tpu.memory_space<vmem>>, vector<16xf32>,
        tpu.vector_store %arg10[%parallel_loop3A_163, %parallel_loop3A_164], %parallel_loop3A_161 {strides = array<i32>} : memref<3x7936xf32, #tpu.memory_space<vmem>>, vector<16xf32>,
        %parallel_loop3A_166 = vector.broadcast %squeeze3A_28 : f32 to vector<16xf32>
        %parallel_loop3A_167 = arith.mulf %parallel_loop3A_166, %parallel_loop3A_133 : vector<16xf32>
        %parallel_loop3A_168 = vector.broadcast %squeeze3A_30 : f32 to vector<16xf32>
        %parallel_loop3A_169 = arith.mulf %parallel_loop3A_168, %parallel_loop3A_137 : vector<16xf32>
        %parallel_loop3A_170 = arith.addf %parallel_loop3A_167, %parallel_loop3A_169 : vector<16xf32>
        %parallel_loop3A_171 = vector.broadcast %squeeze3A_32 : f32 to vector<16xf32>
        %parallel_loop3A_172 = arith.mulf %parallel_loop3A_171, %parallel_loop3A_141 : vector<16xf32>
        %parallel_loop3A_173 = arith.addf %parallel_loop3A_170, %parallel_loop3A_172 : vector<16xf32>
        %parallel_loop3A_174 = arith.constant 2 : i32
        %parallel_loop3A_175 = arith.index_cast %parallel_loop3A_174 : i32 to index
        %parallel_loop3A_176 = arith.index_cast %parallel_loop3A_129 : i32 to index
        %parallel_loop3A_177 = tpu.vector_load %arg10[%parallel_loop3A_175, %parallel_loop3A_176] {strides = array<i32>} : memref<3x7936xf32, #tpu.memory_space<vmem>>, vector<16xf32>,
        tpu.vector_store %arg10[%parallel_loop3A_175, %parallel_loop3A_176], %parallel_loop3A_173 {strides = array<i32>} : memref<3x7936xf32, #tpu.memory_space<vmem>>, vector<16xf32>,
      } {sc.loop_unroll_factor = 8 : i64, sc.parallel_access}
      %add3A_117 = arith.constant 96 : i32
      %add3A_118 = arith.addi %add3A_117, %add3A : i32
      %mul3A_119 = arith.constant 7936 : i32
      %mul3A_120 = arith.muli %add3A_118, %mul3A_119 : i32
      %dma_start3A_121 = arith.constant 0 : i32
      %dma_start3A_122 = tpu.memref_slice %arg5[%dma_start3A_121, %mul3A_120] : memref<3x1000000xf32, #tpu.memory_space<hbm>> -> memref<3x7936xf32, #tpu.memory_space<hbm>>
      %dma_start3A_123 = arith.constant 0 : i32
      %dma_start3A_124 = tpu.memref_slice %arg5[%dma_start3A_123, %mul3A_120] : memref<3x1000000xf32, #tpu.memory_space<hbm>> -> memref<3x7936xf32, #tpu.memory_space<hbm>>
      tpu.enqueue_dma source(%arg10 : memref<3x7936xf32, #tpu.memory_space<vmem>>) target(%dma_start3A_124 : memref<3x7936xf32, #tpu.memory_space<hbm>>) target_semaphore(%arg17 : memref<!tpu.dma_semaphore, #tpu.memory_space<semaphore_mem>>)
      %dma_wait3A_125 = arith.constant 0 : i32
      %dma_wait3A_126 = tpu.memref_slice %arg5[%dma_wait3A_125, %mul3A_120] : memref<3x1000000xf32, #tpu.memory_space<hbm>> -> memref<3x7936xf32, #tpu.memory_space<hbm>>
      %dma_wait3A_127 = arith.constant 0 : i32
      %dma_wait3A_128 = tpu.memref_slice %arg5[%dma_wait3A_127, %mul3A_120] : memref<3x1000000xf32, #tpu.memory_space<hbm>> -> memref<3x7936xf32, #tpu.memory_space<hbm>>
      tpu.wait_dma2 semaphore(%arg17 : memref<!tpu.dma_semaphore, #tpu.memory_space<semaphore_mem>>) src(%arg10 : memref<3x7936xf32, #tpu.memory_space<vmem>>) dst(%dma_wait3A_128 : memref<3x7936xf32, #tpu.memory_space<hbm>>)
    } else {
    }
    %eq3A = arith.constant 31 : i32
    %eq3A_94 = arith.cmpi eq, %add3A, %eq3A : i32
    %convert_element_type3A_95 = arith.extui %eq3A_94 : i1 to i32
    %cond3A_96 = arith.constant 0 : i32
    %cond3A_97 = arith.cmpi ne, %convert_element_type3A_95, %cond3A_96 : i32
    scf.if %cond3A_97 {
      "tpu.region"() ({
        %run_scoped3A = tpu.sem_alloc : memref<!tpu.dma_semaphore, #tpu.memory_space<semaphore_mem>>
        tpu.enqueue_dma source(%arg3 : memref<3x64xf32, #tpu.memory_space<hbm>>) target(%arg11 : memref<3x64xf32, #tpu.memory_space<vmem>>) target_semaphore(%run_scoped3A : memref<!tpu.dma_semaphore, #tpu.memory_space<semaphore_mem>>)
        tpu.wait_dma2 semaphore(%run_scoped3A : memref<!tpu.dma_semaphore, #tpu.memory_space<semaphore_mem>>) src(%arg3 : memref<3x64xf32, #tpu.memory_space<hbm>>) dst(%arg11 : memref<3x64xf32, #tpu.memory_space<vmem>>)
        tpu.yield
      }) : () -> ()
      %parallel_loop3A_102 = arith.constant 0 : i32
      %parallel_loop3A_103 = arith.constant 64 : i32
      %parallel_loop3A_104 = arith.constant 16 : i32
      scf.for %parallel_loop3A_105 = %parallel_loop3A_102 to %parallel_loop3A_103 step %parallel_loop3A_104  : i32 {
        %parallel_loop3A_106 = arith.constant 0 : i32
        %parallel_loop3A_107 = arith.index_cast %parallel_loop3A_106 : i32 to index
        %parallel_loop3A_108 = arith.index_cast %parallel_loop3A_105 : i32 to index
        %parallel_loop3A_109 = tpu.vector_load %arg11[%parallel_loop3A_107, %parallel_loop3A_108] {strides = array<i32>} : memref<3x64xf32, #tpu.memory_space<vmem>>, vector<16xf32>,
        %parallel_loop3A_110 = arith.constant 1 : i32
        %parallel_loop3A_111 = arith.index_cast %parallel_loop3A_110 : i32 to index
        %parallel_loop3A_112 = arith.index_cast %parallel_loop3A_105 : i32 to index
        %parallel_loop3A_113 = tpu.vector_load %arg11[%parallel_loop3A_111, %parallel_loop3A_112] {strides = array<i32>} : memref<3x64xf32, #tpu.memory_space<vmem>>, vector<16xf32>,
        %parallel_loop3A_114 = arith.constant 2 : i32
        %parallel_loop3A_115 = arith.index_cast %parallel_loop3A_114 : i32 to index
        %parallel_loop3A_116 = arith.index_cast %parallel_loop3A_105 : i32 to index
        %parallel_loop3A_117 = tpu.vector_load %arg11[%parallel_loop3A_115, %parallel_loop3A_116] {strides = array<i32>} : memref<3x64xf32, #tpu.memory_space<vmem>>, vector<16xf32>,
        %parallel_loop3A_118 = vector.broadcast %squeeze3A : f32 to vector<16xf32>
        %parallel_loop3A_119 = arith.mulf %parallel_loop3A_118, %parallel_loop3A_109 : vector<16xf32>
        %parallel_loop3A_120 = vector.broadcast %squeeze3A_18 : f32 to vector<16xf32>
        %parallel_loop3A_121 = arith.mulf %parallel_loop3A_120, %parallel_loop3A_113 : vector<16xf32>
        %parallel_loop3A_122 = arith.addf %parallel_loop3A_119, %parallel_loop3A_121 : vector<16xf32>
        %parallel_loop3A_123 = vector.broadcast %squeeze3A_20 : f32 to vector<16xf32>
        %parallel_loop3A_124 = arith.mulf %parallel_loop3A_123, %parallel_loop3A_117 : vector<16xf32>
        %parallel_loop3A_125 = arith.addf %parallel_loop3A_122, %parallel_loop3A_124 : vector<16xf32>
        %parallel_loop3A_126 = arith.constant 0 : i32
        %parallel_loop3A_127 = arith.index_cast %parallel_loop3A_126 : i32 to index
        %parallel_loop3A_128 = arith.index_cast %parallel_loop3A_105 : i32 to index
        %parallel_loop3A_129 = tpu.vector_load %arg12[%parallel_loop3A_127, %parallel_loop3A_128] {strides = array<i32>} : memref<3x64xf32, #tpu.memory_space<vmem>>, vector<16xf32>,
        tpu.vector_store %arg12[%parallel_loop3A_127, %parallel_loop3A_128], %parallel_loop3A_125 {strides = array<i32>} : memref<3x64xf32, #tpu.memory_space<vmem>>, vector<16xf32>,
        %parallel_loop3A_130 = vector.broadcast %squeeze3A_22 : f32 to vector<16xf32>
        %parallel_loop3A_131 = arith.mulf %parallel_loop3A_130, %parallel_loop3A_109 : vector<16xf32>
        %parallel_loop3A_132 = vector.broadcast %squeeze3A_24 : f32 to vector<16xf32>
        %parallel_loop3A_133 = arith.mulf %parallel_loop3A_132, %parallel_loop3A_113 : vector<16xf32>
        %parallel_loop3A_134 = arith.addf %parallel_loop3A_131, %parallel_loop3A_133 : vector<16xf32>
        %parallel_loop3A_135 = vector.broadcast %squeeze3A_26 : f32 to vector<16xf32>
        %parallel_loop3A_136 = arith.mulf %parallel_loop3A_135, %parallel_loop3A_117 : vector<16xf32>
        %parallel_loop3A_137 = arith.addf %parallel_loop3A_134, %parallel_loop3A_136 : vector<16xf32>
        %parallel_loop3A_138 = arith.constant 1 : i32
        %parallel_loop3A_139 = arith.index_cast %parallel_loop3A_138 : i32 to index
        %parallel_loop3A_140 = arith.index_cast %parallel_loop3A_105 : i32 to index
        %parallel_loop3A_141 = tpu.vector_load %arg12[%parallel_loop3A_139, %parallel_loop3A_140] {strides = array<i32>} : memref<3x64xf32, #tpu.memory_space<vmem>>, vector<16xf32>,
        tpu.vector_store %arg12[%parallel_loop3A_139, %parallel_loop3A_140], %parallel_loop3A_137 {strides = array<i32>} : memref<3x64xf32, #tpu.memory_space<vmem>>, vector<16xf32>,
        %parallel_loop3A_142 = vector.broadcast %squeeze3A_28 : f32 to vector<16xf32>
        %parallel_loop3A_143 = arith.mulf %parallel_loop3A_142, %parallel_loop3A_109 : vector<16xf32>
        %parallel_loop3A_144 = vector.broadcast %squeeze3A_30 : f32 to vector<16xf32>
        %parallel_loop3A_145 = arith.mulf %parallel_loop3A_144, %parallel_loop3A_113 : vector<16xf32>
        %parallel_loop3A_146 = arith.addf %parallel_loop3A_143, %parallel_loop3A_145 : vector<16xf32>
        %parallel_loop3A_147 = vector.broadcast %squeeze3A_32 : f32 to vector<16xf32>
        %parallel_loop3A_148 = arith.mulf %parallel_loop3A_147, %parallel_loop3A_117 : vector<16xf32>
        %parallel_loop3A_149 = arith.addf %parallel_loop3A_146, %parallel_loop3A_148 : vector<16xf32>
        %parallel_loop3A_150 = arith.constant 2 : i32
        %parallel_loop3A_151 = arith.index_cast %parallel_loop3A_150 : i32 to index
        %parallel_loop3A_152 = arith.index_cast %parallel_loop3A_105 : i32 to index
        %parallel_loop3A_153 = tpu.vector_load %arg12[%parallel_loop3A_151, %parallel_loop3A_152] {strides = array<i32>} : memref<3x64xf32, #tpu.memory_space<vmem>>, vector<16xf32>,
        tpu.vector_store %arg12[%parallel_loop3A_151, %parallel_loop3A_152], %parallel_loop3A_149 {strides = array<i32>} : memref<3x64xf32, #tpu.memory_space<vmem>>, vector<16xf32>,
      } {sc.loop_unroll_factor = 4 : i64, sc.parallel_access}
      "tpu.region"() ({
        %run_scoped3A = tpu.sem_alloc : memref<!tpu.dma_semaphore, #tpu.memory_space<semaphore_mem>>
        tpu.enqueue_dma source(%arg12 : memref<3x64xf32, #tpu.memory_space<vmem>>) target(%arg6 : memref<3x64xf32, #tpu.memory_space<hbm>>) target_semaphore(%run_scoped3A : memref<!tpu.dma_semaphore, #tpu.memory_space<semaphore_mem>>)
        tpu.wait_dma2 semaphore(%run_scoped3A : memref<!tpu.dma_semaphore, #tpu.memory_space<semaphore_mem>>) src(%arg12 : memref<3x64xf32, #tpu.memory_space<vmem>>) dst(%arg6 : memref<3x64xf32, #tpu.memory_space<hbm>>)
        tpu.yield
      }) : () -> ()
    } else {
    }
    %dma_wait3A_98 = arith.constant 0 : i32
    %dma_wait3A_99 = tpu.memref_slice %arg5[%dma_wait3A_98, %mul3A_83] : memref<3x1000000xf32, #tpu.memory_space<hbm>> -> memref<3x7936xf32, #tpu.memory_space<hbm>>
    %dma_wait3A_100 = arith.constant 0 : i32
    %dma_wait3A_101 = tpu.memref_slice %arg5[%dma_wait3A_100, %mul3A_83] : memref<3x1000000xf32, #tpu.memory_space<hbm>> -> memref<3x7936xf32, #tpu.memory_space<hbm>>
    tpu.wait_dma2 semaphore(%arg16 : memref<!tpu.dma_semaphore, #tpu.memory_space<semaphore_mem>>) src(%arg9 : memref<3x7936xf32, #tpu.memory_space<vmem>>) dst(%dma_wait3A_101 : memref<3x7936xf32, #tpu.memory_space<hbm>>)
    return
  }
}

</mosaic_0001>

<sc_bundles>
// kernel: kernel.3.cloned.1.call-start
scs
__scs_entry_jumppad:
0x0: {  	(pc) =	sbr.rel $0x88, $3  }
0x1: {  	(tag) =	ssettag $0x0;
	lr =	simm.s32 $0x1  }
0x2: {  	[smem:$0x3F9F] =	sst lr;
	_ =	strace $0xD0000000  }
0x3: {  	_ = 	snop  }
0x4: {  	_ = 	snop  }
0x5: {  	_ = 	snop  }
0x6: {  	_ = 	snop  }
0x7: {  	_ = 	snop  }
__scs_overlays_trampoline_lowered:
0x8: {  	[smem:$0x3FAE] =	sst s0  }
0x9: {  	[smem:$0x3FAF] =	sst s1  }
0xa: {  	[smem:$0x3FB0] =	sst s2  }
0xb: {  	[smem:$0x3FB1] =	sst s3  }
0xc: {  	[smem:$0x3FB2] =	sst s4  }
0xd: {  	[smem:$0x3FB3] =	sst s5  }
0xe: {  	[smem:$0x3FB4] =	sst s6  }
0xf: {  	[smem:$0x3FB5] =	sst s7  }
0x10: {  	[smem:$0x3FB6] =	sst s8  }
0x11: {  	[smem:$0x3FB7] =	sst s9;
	s0 =	simm.s32 @!p0 $0x0  }
0x12: {  	s1 =	sld [smem:$0x3F9D];
	s0 =	simm.s32 @p0 $0x1  }
0x13: {  	[smem:$0x3FB8] =	sst s0;
	s0 =	simm.s32 @!p1 $0x0  }
0x14: {  	s2 =	sld [smem:$0x3F9C];
	s0 =	simm.s32 @p1 $0x1  }
0x15: {  	[smem:$0x3FB9] =	sst s0;
	s0 =	simm.s32 @!p2 $0x0  }
0x16: {  	s3 =	sld [smem:$0x3FDB];
	s0 =	simm.s32 @p2 $0x1  }
0x17: {  	s4 =	simm.s32 $0x1BF5;
	[smem:$0x3FBB] =	sst s0  }
0x18: {  	s0 =	sld [smem:$0x3F9E];
	_ =	swait.ge [sflag:s4], $0x0  }
0x19: {  	s7 =	sld [smem:$0x3F9F]  }
0x1a: {  	s8 =	sadd.s32 $0xFFFFE003, lr  }
0x1b: {  	s9 =	sadd.s32 $0xFFFFFEF7, lr;
	s5 =	simm.s32 $0xFFFFFFFF;
	p2 =	slt.u32 s8, $0xFFFFF086  }
0x1c: {  	p1 =	slt.u32 s9, $0xF7A;
	s5 =	simm.s32 @!p2 $0x0  }
0x1d: {  	s5 =	simm.s32 @p1 $0x1;
	p0 =	seq.s32 s7, s2  }
0x1e: {  	s7 =	smul.u32 @!p0 $0xF7A, s2;
	p2 =	seq.s32 @!p0 s5, $0x0  }
0x1f: {  	s9 =	smul.u32 $0xF7A, s1;
	s8 =	simm.s32 @!p0 $0x1BF5;
	p2 =	por !p2, p0  }
0x20: {  	[sflag:s8] =	ssyncset.s32 @!p0 $0xFFFFF086;
	s6 =	sadd.s32 @!p0 s3, s7;
	s7 =	simm.s32 @!p0 $0x108  }
0x21: {  	s3 =	sadd.s32 s3, s9;
	s6 =	sadd.s32 @!p0 $0x88, s6;
	s7 =	simm.s32 @p2 $0x1082  }
0x22: {  	[simem:s7], [sflag:s8] =	dma.local @!p0 [hbm:s6], $0xF7A  }
0x23: {  	s9 =	sor.u32 $0xD0000000, s2;
	s6 =	simm.s32 $0x108;
	_ =	swait.ge @!p0 [sflag:s8], $0x0  }
0x24: {  	s3 =	sadd.s32 $0x88, s3;
	s6 =	simm.s32 @!p1 $0x1082;
	[sflag:s4] =	ssyncset.s32 $0xFFFFF086  }
0x25: {  	[simem:s6], [sflag:s4] =	dma.local [hbm:s3], $0xF7A  }
0x26: {  	[smem:$0x3F9F] =	sst s1;
	(tag) =	ssettag s2;
	_ =	strace s9  }
0x27: {  	s1 =	sld [smem:$0x3FAF]  }
0x28: {  	s2 =	sld [smem:$0x3FB0]  }
0x29: {  	s4 =	sld [smem:$0x3FB2]  }
0x2a: {  	p0 =	seq.s32 s5, $0x0;
	s5 =	sld [smem:$0x3FB3]  }
0x2b: {  	s6 =	sld [smem:$0x3FB4]  }
0x2c: {  	s7 =	sld [smem:$0x3FB5]  }
0x2d: {  	s3 =	simm.s32 $0x108;
	s8 =	sld [smem:$0x3FB6]  }
0x2e: {  	s3 =	simm.s32 @!p0 $0x1082;
	s9 =	sld [smem:$0x3FB7]  }
0x2f: {  	lr =	sadd.s32 s0, s3;
	s0 =	sld [smem:$0x3FAE]  }
0x30: {  	s3 =	sld [smem:$0x3FB1]  }
0x31: {  	[smem:$0x3FBA] =	sst s10  }
0x32: {  	s10 =	sld [smem:$0x3FB8];
	_ =	sdelay $0x3  }
0x33: {  	p0 =	seq.s32 s10, $0x1;
	s10 =	sld [smem:$0x3FBA];
	_ =	sdelay $0x3  }
0x34: {  	[smem:$0x3FBA] =	sst s10  }
0x35: {  	s10 =	sld [smem:$0x3FB9];
	_ =	sdelay $0x3  }
0x36: {  	p1 =	seq.s32 s10, $0x1;
	s10 =	sld [smem:$0x3FBA];
	_ =	sdelay $0x3  }
0x37: {  	[smem:$0x3FBA] =	sst s10  }
0x38: {  	s10 =	sld [smem:$0x3FBB]  }
0x39: {  	_ = 	snop;
	(pc) =	sbr.ind lr, $3  }
0x3a: {  	_ = 	snop  }
0x3b: {  	_ = 	snop  }
0x3c: {  	p2 =	seq.s32 s10, $0x1;
	s10 =	sld [smem:$0x3FBA]  }
0x3d: {  	_ =	shalt  }
0x3e: {  	_ =	shalt  }
0x3f: {  	_ =	shalt  }
0x40: {  	_ =	shalt  }
0x41: {  	_ =	shalt  }
0x42: {  	_ =	shalt  }
0x43: {  	_ =	shalt  }
0x44: {  	_ =	shalt  }
0x45: {  	_ =	shalt  }
0x46: {  	_ =	shalt  }
0x47: {  	_ =	shalt  }
0x48: {  	_ =	shalt  }
0x49: {  	_ =	shalt  }
0x4a: {  	_ =	shalt  }
0x4b: {  	_ =	shalt  }
0x4c: {  	_ =	shalt  }
0x4d: {  	_ =	shalt  }
0x4e: {  	_ =	shalt  }
0x4f: {  	_ =	shalt  }
0x50: {  	_ =	shalt  }
0x51: {  	_ =	shalt  }
0x52: {  	_ =	shalt  }
0x53: {  	_ =	shalt  }
0x54: {  	_ =	shalt  }
0x55: {  	_ =	shalt  }
0x56: {  	_ =	shalt  }
0x57: {  	_ =	shalt  }
0x58: {  	_ =	shalt  }
0x59: {  	_ =	shalt  }
0x5a: {  	_ =	shalt  }
0x5b: {  	_ =	shalt  }
0x5c: {  	_ =	shalt  }
0x5d: {  	_ =	shalt  }
0x5e: {  	_ =	shalt  }
0x5f: {  	_ =	shalt  }
0x60: {  	_ =	shalt  }
0x61: {  	_ =	shalt  }
0x62: {  	_ =	shalt  }
0x63: {  	_ =	shalt  }
0x64: {  	_ =	shalt  }
0x65: {  	_ =	shalt  }
0x66: {  	_ =	shalt  }
0x67: {  	_ =	shalt  }
0x68: {  	_ =	shalt  }
0x69: {  	_ =	shalt  }
0x6a: {  	_ =	shalt  }
0x6b: {  	_ =	shalt  }
0x6c: {  	_ =	shalt  }
0x6d: {  	_ =	shalt  }
0x6e: {  	_ =	shalt  }
0x6f: {  	_ =	shalt  }
0x70: {  	_ =	shalt  }
0x71: {  	_ =	shalt  }
0x72: {  	_ =	shalt  }
0x73: {  	_ =	shalt  }
0x74: {  	_ =	shalt  }
0x75: {  	_ =	shalt  }
0x76: {  	_ =	shalt  }
0x77: {  	_ =	shalt  }
0x78: {  	_ =	shalt  }
0x79: {  	_ =	shalt  }
0x7a: {  	_ =	shalt  }
0x7b: {  	_ =	shalt  }
0x7c: {  	_ =	shalt  }
0x7d: {  	_ =	shalt  }
0x7e: {  	_ =	shalt  }
0x7f: {  	_ =	shalt  }
0x80: {  	_ =	shalt  }
0x81: {  	_ =	shalt  }
0x82: {  	_ =	shalt  }
0x83: {  	_ =	shalt  }
0x84: {  	_ =	shalt  }
0x85: {  	_ =	shalt  }
0x86: {  	_ =	shalt  }
0x87: {  	_ =	shalt  }
.Lfunc_end0:
.L_simem_size_0:
called_computation_lowered:
.L_overlay_start_0:
0x88: {  	s2 =	sld [smem:$0x3FD9]  }
0x89: {  	s3 =	sld [smem:$0x3FFE];
	_ =	sdelay $0x1  }
0x8a: {  	s1 =	srdreg.scid  }
0x8b: {  	s0 =	sand.u32 $0x1, s1  }
0x8c: {  	s17 =	sshll.u32 s0, $0xA;
	s2 =	sadd.s32 s3, s2  }
0x8d: {  	s2 =	sadd.s32 s2, s17  }
0x8e: {  	[smem:$0x3FC6] =	sst s2  }
0x8f: {  	_ = 	snop  }
0x90: {  	s2 =	sld [smem:$0x3FC9]  }
0x91: {  	s18 =	sld [smem:$0x3FD0];
	(tm) =	ssettm $0x1  }
0x92: {  	s4 =	sld [smem:$0x3FFB];
	_ =	sdelay $0x3  }
0x93: {  	_ =	strace s4  }
0x94: {  	s4 =	sld [smem:$0x3FFC];
	_ =	sdelay $0x3  }
0x95: {  	_ =	strace s4  }
0x96: {  	s4 =	sld [smem:$0x3FFD];
	_ =	sdelay $0x3  }
0x97: {  	_ =	strace s4  }
0x98: {  	_ =	strace $0x8FFFFFFF  }
0x99: {  	s19 =	sld [smem:$0x3FDB];
	_ =	sdelay $0x1  }
0x9a: {  	s5 =	simm.s32 $_scs_section_size  }
0x9b: {  	s6 =	simm.s32 $_size__tile_overlayer_lowered;
	s7 =	simm.s32 $_tile_overlayer_lowered  }
0x9c: {  	s22 =	simm.s32 $0x1BFF;
	s21 =	sshll.u32 s7, $0x1;
	s4 =	sadd.s32 s5, s19  }
0x9d: {  	s8 =	simm.s32 $0x0;
	s20 =	sshll.u32 s6, $0x1;
	s6 =	sadd.s32 s21, s4  }
0x9e: {  	[timem:s8], [sflag:s22] =	dma.local [hbm:s6], s20  }
0x9f: {  	_ =	swait.ge [sflag:s22], s20  }
0xa0: {  	s5 =	ssub.s32 $0x0, s20;
	[sflag:s22] =	ssyncset.done $0x0  }
0xa1: {  	[sflag:s22] =	ssyncadd.s32 s5;
	_ =	sdelay $0x1  }
0xa2: {  	s23 =	simm.s32 $0x1B8B  }
0xa3: {  	_ =	swait.ge [sflag:s23], $0x1  }
0xa4: {  	[sflag:s23] =	ssyncset.done $0x0  }
0xa5: {  	s25 =	simm.s32 $0x1B8E;
	s24 =	sld [smem:$0x3FFE];
	[sflag:s23] =	ssyncadd.s32 $0xFFFFFFFF  }
0xa6: {  	s26 =	simm.s32 $execute0_lowered;
	[smem:$0x3FD2] =	sst s25  }
0xa7: {  	s6 =	sshll.u32 s26, $0x1;
	_ =	strace $0x80000046;
	[dreg:$0x1] =	wrdreg $0xFFFFFFFF  }
0xa8: {  	s28 =	simm.s32 $_size_execute0_lowered;
	s4 =	sadd.s32 s4, s6;
	[dreg:$0x0] =	wrdreg $0x0  }
0xa9: {  	s6 =	sshll.u32 s28, $0x1;
	[dreg:$0x2] =	wrdreg s4  }
0xaa: {  	[dreg:$0x3] =	wrdreg s6  }
0xab: {  	[dreg:$0x4] =	wrdreg $0xC0  }
0xac: {  	_ =	task [dreg:s8], $0x5FFFF  }
0xad: {  	[dreg:$0x1] =	wrdreg $0xFFFFFFFF  }
0xae: {  	[dreg:$0x0] =	wrdreg $0x60  }
0xaf: {  	[dreg:$0x2] =	wrdreg s2  }
0xb0: {  	[dreg:$0x3] =	wrdreg s24  }
0xb1: {  	[dreg:$0x4] =	wrdreg s18  }
0xb2: {  	[dreg:$0x5] =	wrdreg $0x9  }
0xb3: {  	_ =	task.clear_ibuf [dreg:s8], $0x6FFFF;
	_ =	strace $0x90000046  }
0xb4: {  	s29 =	simm.s32 $0x9;
	_ =	strace $0x80000048  }
0xb5: {  	_ =	swait.ge [sflag:s29], $0x1  }
0xb6: {  	[sflag:s29] =	ssyncadd.s32 $0xFFFFFFFF  }
0xb7: {  	_ =	strace $0x90000048  }
0xb8: {  	_ =	sfence  }
0xb9: {  	s30 =	sld [smem:$0x0];
	_ =	sdelay $0x2  }
0xba: {  	s31 =	sshll.u32 s1, $0xD;
	s1 =	sshrl.u32 s1, $0x2  }
0xbb: {  	s3 =	sand.u32 $0x4000, s31;
	s1 =	sadd.s32 s1, s30  }
0xbc: {  	s0 =	sor.u32 s3, s0;
	s1 =	sshll.u32 s1, $0x11  }
0xbd: {  	s0 =	sor.u32 s1, s0  }
0xbe: {  	s0 =	sadd.s32 $0x8F2B, s0  }
0xbf: {  	[sflag:s0] =	ssyncadd.remote.s32 $0x1  }
0xc0: {  	_ =	sfence.sel $0xFFFF  }
0xc1: {  	[dreg:$0x0] =	wrdreg $0xFFFFFFFF;
	(pc) =	sbr.abs _section_cstart, $3  }
0xc2: {  	[dreg:$0x1] =	wrdreg $0xFFFFFFFF  }
0xc3: {  	_ =	task.clear_ibuf [dreg:s8], $0x2FFFF;
	_ =	strace $0x9FFFFFFF  }
0xc4: {  	(tm) =	ssettm $0x7FFFFFFF  }
0xc5: {  	_ =	shalt  }
tec
execute0_lowered:
.L_overlay_start_1:
0x0: {  	(tag) =	ssettag $0x1  }
0x1: {  	s12 =	rddreg [dreg:$0x0]  }
0x2: {  	s5 =	rddreg [dreg:$0x1]  }
0x3: {  	s13 =	rddreg [dreg:$0x2]  }
0x4: {  	s0 =	rddreg [dreg:$0x3]  }
0x5: {  	s3 =	srdreg.scid;
	s1 =	stileid.u32  }
0x6: {  	s2 =	simm.s32 $0x0;
	s17 =	simm.s32 $0x5;
	s18 =	simm.s32 $0x1  }
0x7: {  	s19 =	simm.s32 $0xF800;
	s20 =	simm.s32 $0x2;
	s21 =	simm.s32 $0x17400  }
0x8: {  	s22 =	simm.s32 $0x3;
	s23 =	simm.s32 $0x4;
	s25 =	simm.s32 $0x1F200  }
0x9: {  	s26 =	simm.s32 $0x0;
	s6 =	sand.u32 $0x1, s3;
	s31 =	sshll.u32 s1, $0x1  }
0xa: {  	[smem:$0x7FF] =	sst s2;
	s3 =	sadd.s32 $0x800, s5;
	s4 =	sadd.s32 $0xA00, s5  }
0xb: {  	s5 =	sadd.s32 $0xC00, s5;
	p0 =	seq.s32 s1, $0xF;
	s24 =	sor.u32 s6, s31  }
0xc: {  	_ =	strace $0x80000047;
	s6 =	ssub.s32 $0x2, s6;
	s7 =	smul.u32 $0x7C00, s24  }
0xd: {  	s8 =	smul.u32 $0xF80, s24;
	s9 =	sshrl.u32 s6, $0x1;
	p1 =	sne.s32 s24, $0x1F  }
0xe: {  	s24 =	simm.s32 $0x1F000;
	s14 =	ssub.s32 s6, s9;
	s11 =	sshrl.u32 s7, $0x3  }
.Ltmp0:
0xf: {  	s6 =	sadd.s32 s12, s8;
	s8 =	sadd.s32 s13, s8;
	(pc) =	sbr.rel .LBB2_1-.Ltmp0, $4  }
0x10: {  	s14 =	smax.u32 s14, $0x1;
	s10 =	sadd.s32 $0x1F000, s11;
	s15 =	sadd.s32 $0x3E000, s11  }
0x11: {  	s16 =	sadd.s32 $0x5D000, s11;
	s7 =	sadd.s32 s12, s10;
	s9 =	sadd.s32 s12, s15  }
0x12: {  	s10 =	sadd.s32 s13, s10;
	s11 =	sadd.s32 s13, s15;
	s12 =	sadd.s32 s12, s16  }
0x13: {  	s13 =	sadd.s32 s13, s16;
	s15 =	simm.s32 $0x7C00;
	s16 =	simm.s32 $0x1F400  }
.LBB2_13:
0x14: {  	s26 =	sadd.s32 $0x1, s26  }
0x15: {  	p2 =	sne.s32 s26, s14  }
.Ltmp1:
0x16: {  	_ = 	snop;
	(pc) =	sbr.rel @!p2 .LBB2_14-.Ltmp1, $4  }
0x17: {  	_ = 	snop  }
0x18: {  	_ =	swait.ge [sflag:s22], $0x7C00  }
0x19: {  	[sflag:s22] =	ssyncset.done $0x0  }
0x1a: {  	[sflag:s22] =	ssyncadd.s32 $0xFFFF8400  }
.LBB2_1:
0x1b: {  	[tilespmem:s2], [sflag:$0x1] =	stream.linear.gather [hbm4b:s6+s2], $0x7C00, $0x38;
	[tilespmem:$0x1F480] =	vst v63  }
0x1c: {  	_ = 	snop  }
0x1d: {  	[tilespmem:s15], [sflag:$0x2] =	stream.linear.gather [hbm4b:s7+s2], $0x7C00, $0x38;
	[tilespmem:$0x1F480] =	vst v63  }
0x1e: {  	_ = 	snop  }
0x1f: {  	[tilespmem:s16], [sflag:$0x5] =	stream.linear.gather [hbm4b:s4+s2], $0x80, $0x38;
	[tilespmem:$0x1F480] =	vst v63  }
0x20: {  	_ =	swait.ge [sflag:s17], $0x80  }
0x21: {  	[sflag:s17] =	ssyncset.done $0x0  }
0x22: {  	[sflag:s17] =	ssyncadd.s32 $0xFFFFFF80  }
0x23: {  	v2 =	vld [tilespmem:$0x1F400];
	_ =	swait.ge [sflag:s18], $0x7C00  }
0x24: {  	[sflag:s18] =	ssyncset.done $0x0  }
0x25: {  	s29 =	simm.s32 $0xC0;
	[sflag:s18] =	ssyncadd.s32 $0xFFFF8400  }
0x26: {  	v10 =	vld [tilespmem:s29+$0xFFFFFFB0]  }
0x27: {  	v14 =	vld [tilespmem:s29+$0x30]  }
0x28: {  	v11 =	vld [tilespmem:s29+$0xFFFFFFC0];
	v6 =	vbroadcast v2, $0x0;
	v3 =	vbroadcast v2, $0x1  }
0x29: {  	v9 =	vld [tilespmem:s29+$0xB0];
	v0 =	vbroadcast v2, $0x2;
	v7 =	vbroadcast v2, $0x3  }
0x2a: {  	v12 =	vld [tilespmem:s29+$0xFFFFFF50];
	v4 =	vbroadcast v2, $0x4;
	v1 =	vbroadcast v2, $0x5  }
0x2b: {  	v13 =	vld [tilespmem:s29+$0xFFFFFFD0];
	v8 =	vbroadcast v2, $0x6;
	v5 =	vbroadcast v2, $0x7  }
0x2c: {  	v29 =	vld [tilespmem:s29+$0x0];
	v2 =	vbroadcast v2, $0x8;
	v16 =	vmul.f32 v10, v6  }
0x2d: {  	v36 =	vld [tilespmem:s29+$0xFFFFFFA0];
	v24 =	vmul.f32 v10, v7;
	v10 =	vmul.f32 v10, v8  }
0x2e: {  	v17 =	vmul.f32 v14, v5;
	v18 =	vmul.f32 v11, v3  }
0x2f: {  	v19 =	vmul.f32 v11, v4;
	v21 =	vmul.f32 v11, v5  }
0x30: {  	v43 =	vld [tilespmem:s29+$0x50];
	v11 =	vmul.f32 v9, v2;
	v23 =	vmul.f32 v12, v7  }
0x31: {  	v45 =	vld [tilespmem:s29+$0x60];
	v26 =	vmul.f32 v13, v3;
	v27 =	vmul.f32 v13, v4  }
0x32: {  	v15 =	vld [tilespmem:s29+$0xFFFFFF60];
	v35 =	vmul.f32 v29, v3;
	v54 =	vmul.f32 v36, v6  }
0x33: {  	v20 =	vld [tilespmem:s29+$0xFFFFFFE0];
	v42 =	vmul.f32 v36, v7;
	v36 =	vmul.f32 v36, v8  }
0x34: {  	v55 =	vmul.f32 v14, v3;
	v14 =	vmul.f32 v14, v4  }
0x35: {  	v57 =	vmul.f32 v43, v0;
	v58 =	vmul.f32 v43, v1  }
0x36: {  	v25 =	vld [tilespmem:s29+$0xFFFFFFF0];
	v59 =	vmul.f32 v43, v2;
	v61 =	vmul.f32 v45, v0;
	v10 =	vadd.f32 v17, v10  }
0x37: {  	v22 =	vld [tilespmem:s29+$0xFFFFFF70];
	v17 =	vmul.f32 v12, v6;
	v30 =	vadd.f32 v27, v23;
	v23 =	vmul.f32 v15, v7  }
0x38: {  	v27 =	vmul.f32 v20, v4;
	v16 =	vadd.f32 v55, v16;
	v28 =	vadd.f32 v11, v10  }
0x39: {  	v10 =	vmul.f32 v12, v8;
	v11 =	vmul.f32 v13, v5;
	v26 =	vadd.f32 v26, v17  }
0x3a: {  	v12 =	vmul.f32 v15, v6;
	v17 =	vmul.f32 v20, v3;
	v33 =	vadd.f32 v27, v23  }
0x3b: {  	v13 =	vld [tilespmem:s29+$0xFFFFFF80];
	v23 =	vmul.f32 v25, v4;
	v31 =	vadd.f32 v11, v10;
	v10 =	vmul.f32 v15, v8  }
0x3c: {  	v27 =	vld [tilespmem:s29+$0xFFFFFF90];
	v11 =	vmul.f32 v20, v5;
	v32 =	vadd.f32 v17, v12;
	v12 =	vmul.f32 v22, v6  }
0x3d: {  	v14 =	vadd.f32 v14, v24;
	v15 =	vmul.f32 v25, v3;
	v17 =	vld [tilespmem:s29+$0xFFFFFF40];
	v20 =	vmul.f32 v22, v7  }
0x3e: {  	v22 =	vmul.f32 v22, v8;
	v25 =	vmul.f32 v25, v5;
	v37 =	vadd.f32 v11, v10  }
0x3f: {  	v34 =	vld [tilespmem:s29+$0x10];
	v11 =	vadd.f32 v15, v12;
	v10 =	vadd.f32 v23, v20;
	v23 =	vmul.f32 v29, v4  }
0x40: {  	v12 =	vadd.f32 v25, v22;
	v25 =	vmul.f32 v29, v5;
	v15 =	vmul.f32 v13, v6  }
0x41: {  	v30 =	vadd.f32 v58, v30;
	v29 =	vld [tilespmem:s29+$0x20];
	v20 =	vmul.f32 v13, v7;
	v22 =	vmul.f32 v13, v8  }
0x42: {  	v26 =	vadd.f32 v57, v26;
	v53 =	vmul.f32 v27, v7;
	v38 =	vmul.f32 v17, v6  }
0x43: {  	v40 =	vld [tilespmem:s29+$0x40];
	v39 =	vmul.f32 v17, v7;
	v13 =	vadd.f32 v35, v15;
	v17 =	vmul.f32 v17, v8  }
0x44: {  	v15 =	vadd.f32 v23, v20;
	v20 =	vmul.f32 v27, v6;
	v23 =	vmul.f32 v34, v3  }
0x45: {  	s28 =	simm.s32 $0xF8C0;
	v56 =	vld [tilespmem:s29+$0x80];
	v27 =	vmul.f32 v27, v8;
	v52 =	vadd.f32 v18, v38;
	v41 =	vadd.f32 v21, v17  }
0x46: {  	[tilespmem:s28+$0xB0] =	vst v28;
	v28 =	vld [tilespmem:s29+$0x90];
	v17 =	vmul.f32 v34, v5;
	v18 =	vadd.f32 v25, v22;
	v25 =	vmul.f32 v29, v3  }
0x47: {  	v39 =	vadd.f32 v19, v39;
	v44 =	vmul.f32 v29, v4;
	v29 =	vmul.f32 v29, v5  }
0x48: {  	v21 =	vadd.f32 v23, v20;
	v23 =	vadd.f32 v17, v27;
	v27 =	vmul.f32 v40, v0  }
0x49: {  	v62 =	vmul.f32 v45, v1;
	v20 =	vadd.f32 v25, v54;
	v17 =	vadd.f32 v29, v36  }
0x4a: {  	v25 =	vld [tilespmem:s29+$0x70];
	v29 =	vmul.f32 v40, v1;
	v24 =	vadd.f32 v27, v52;
	v27 =	vmul.f32 v40, v2  }
0x4b: {  	[tilespmem:s28+$0xFFFFFF50] =	vst v26;
	v63 =	vadd.f32 v61, v32;
	v32 =	vmul.f32 v56, v2;
	v26 =	vmul.f32 v28, v0  }
0x4c: {  	[tilespmem:s28+$0xFFFFFFD0] =	vst v30;
	v30 =	vmul.f32 v28, v2;
	v29 =	vadd.f32 v29, v39;
	v60 =	vadd.f32 v27, v41;
	v27 =	vld [tilespmem:s29+$0xA0]  }
0x4d: {  	[tilespmem:s28+$0xFFFFFF60] =	vst v63;
	v19 =	vmul.f32 v34, v4;
	v38 =	vadd.f32 v59, v31;
	v31 =	vmul.f32 v56, v0  }
0x4e: {  	v36 =	vadd.f32 v62, v33;
	v33 =	vmul.f32 v28, v1;
	[tilespmem:s28+$0xFFFFFFC0] =	vst v29;
	v29 =	vmul.f32 v45, v2  }
0x4f: {  	v22 =	vadd.f32 v19, v53;
	[tilespmem:s28+$0xFFFFFF40] =	vst v24;
	v24 =	vmul.f32 v25, v0;
	v34 =	vmul.f32 v25, v1  }
0x50: {  	v19 =	vadd.f32 v44, v42;
	[tilespmem:s28+$0x50] =	vst v38;
	v35 =	vmul.f32 v25, v2;
	v25 =	vmul.f32 v56, v1  }
0x51: {  	s30 =	simm.s32 $0x0;
	s31 =	simm.s32 $0x2C0;
	s29 =	simm.s32 $0xF8C0;
	[tilespmem:s28+$0x40] =	vst v60;
	v37 =	vadd.f32 v29, v37;
	v29 =	vmul.f32 v27, v0;
	v28 =	vmul.f32 v27, v1  }
.LBB2_2:
0x52: {  	v38 =	vld [tilespmem:s31+$0xFFFFFFB0];
	[tilespmem:s28+$0xFFFFFFE0] =	vst v36;
	v11 =	vadd.f32 v24, v11;
	v27 =	vmul.f32 v27, v2;
	v36 =	vmul.f32 v9, v0  }
0x53: {  	s30 =	sadd.s32 $0x80, s30;
	v10 =	vadd.f32 v34, v10;
	v12 =	vadd.f32 v35, v12;
	v34 =	vmul.f32 v9, v1;
	v24 =	vld [tilespmem:s31+$0x30];
	[tilespmem:s28+$0x60] =	vst v37  }
0x54: {  	p2 =	slt.u32 s30, $0x1E80;
	v35 =	vld [tilespmem:s31+$0xFFFFFFC0];
	[tilespmem:s28+$0xFFFFFF70] =	vst v11;
	v11 =	vadd.f32 v31, v13;
	v13 =	vadd.f32 v25, v15  }
0x55: {  	v15 =	vadd.f32 v26, v21;
	v9 =	vld [tilespmem:s31+$0xB0];
	[tilespmem:s28+$0xFFFFFFF0] =	vst v10;
	v10 =	vadd.f32 v32, v18  }
0x56: {  	v21 =	vadd.f32 v30, v23;
	v18 =	vld [tilespmem:s31+$0xFFFFFF50];
	[tilespmem:s28+$0x70] =	vst v12;
	v12 =	vadd.f32 v33, v22  }
0x57: {  	v22 =	vld [tilespmem:s31+$0xFFFFFFD0];
	v25 =	vmul.f32 v38, v6;
	v26 =	vmul.f32 v38, v7;
	[tilespmem:s28+$0xFFFFFF80] =	vst v11;
	v11 =	vadd.f32 v29, v20  }
0x58: {  	v23 =	vmul.f32 v38, v8;
	v20 =	vld [tilespmem:s31+$0xFFFFFF60];
	v29 =	vmul.f32 v24, v5;
	[tilespmem:s28+$0x0] =	vst v13;
	v13 =	vadd.f32 v28, v19  }
0x59: {  	v19 =	vmul.f32 v35, v3;
	v28 =	vmul.f32 v35, v4;
	v30 =	vld [tilespmem:s31+$0xFFFFFFE0];
	[tilespmem:s28+$0x80] =	vst v10;
	v10 =	vadd.f32 v27, v17  }
0x5a: {  	v17 =	vmul.f32 v35, v5;
	v27 =	vld [tilespmem:s31+$0xFFFFFF70];
	v23 =	vadd.f32 v29, v23;
	v29 =	vmul.f32 v9, v2;
	[tilespmem:s28+$0xFFFFFF90] =	vst v15  }
0x5b: {  	v15 =	vmul.f32 v18, v6;
	v31 =	vmul.f32 v18, v7;
	v32 =	vld [tilespmem:s31+$0xFFFFFFF0];
	[tilespmem:s28+$0x10] =	vst v12;
	v12 =	vadd.f32 v36, v16  }
0x5c: {  	v16 =	vmul.f32 v22, v3;
	v33 =	vmul.f32 v22, v4;
	v35 =	vld [tilespmem:s31+$0xFFFFFF80];
	v23 =	vadd.f32 v29, v23;
	[tilespmem:s28+$0x90] =	vst v21  }
0x5d: {  	v18 =	vmul.f32 v18, v8;
	v21 =	vmul.f32 v22, v5;
	s28 =	sadd.s32 $0x200, s28;
	v22 =	vld [tilespmem:s31+$0x0];
	[tilespmem:s29+$0xFFFFFFA0] =	vst v11;
	v11 =	vadd.f32 v34, v14  }
0x5e: {  	v14 =	vmul.f32 v20, v6;
	v29 =	vadd.f32 v16, v15;
	v15 =	vmul.f32 v30, v3;
	v16 =	vld [tilespmem:s31+$0xFFFFFF90];
	[tilespmem:s28+$0xB0] =	vst v23  }
0x5f: {  	v31 =	vadd.f32 v33, v31;
	v23 =	vmul.f32 v20, v7;
	v33 =	vmul.f32 v30, v4;
	v34 =	vld [tilespmem:s31+$0x10];
	[tilespmem:s29+$0x20] =	vst v13  }
0x60: {  	v36 =	vadd.f32 v21, v18;
	v18 =	vmul.f32 v30, v5;
	v13 =	vmul.f32 v20, v8;
	v20 =	vld [tilespmem:s31+$0xFFFFFFA0];
	[tilespmem:s29+$0xA0] =	vst v10  }
0x61: {  	v30 =	vadd.f32 v15, v14;
	v10 =	vmul.f32 v27, v6;
	v14 =	vmul.f32 v32, v3;
	v37 =	vld [tilespmem:s31+$0x20];
	[tilespmem:s29+$0xFFFFFFB0] =	vst v12  }
0x62: {  	v33 =	vadd.f32 v33, v23;
	v21 =	vmul.f32 v32, v4;
	v12 =	vmul.f32 v27, v7;
	v15 =	vld [tilespmem:s31+$0xFFFFFF40];
	[tilespmem:s29+$0x30] =	vst v11;
	s29 =	smov.u32 s28  }
0x63: {  	v39 =	vadd.f32 v18, v13;
	v13 =	vmul.f32 v27, v8;
	v18 =	vmul.f32 v32, v5;
	v38 =	vld [tilespmem:s31+$0x40]  }
0x64: {  	v11 =	vadd.f32 v14, v10;
	v14 =	vmul.f32 v35, v6;
	v23 =	vmul.f32 v22, v3;
	v32 =	vld [tilespmem:s31+$0x50]  }
0x65: {  	v27 =	vmul.f32 v22, v4;
	v10 =	vadd.f32 v21, v12;
	v21 =	vmul.f32 v35, v7;
	v40 =	vld [tilespmem:s31+$0x60]  }
0x66: {  	v22 =	vmul.f32 v22, v5;
	v12 =	vadd.f32 v18, v13;
	v18 =	vmul.f32 v35, v8;
	v41 =	vld [tilespmem:s31+$0x70]  }
0x67: {  	v13 =	vadd.f32 v23, v14;
	v35 =	vmul.f32 v15, v6;
	v42 =	vmul.f32 v15, v7;
	v43 =	vld [tilespmem:s31+$0x80]  }
0x68: {  	v14 =	vmul.f32 v15, v8;
	v15 =	vadd.f32 v27, v21;
	v21 =	vmul.f32 v16, v6;
	v44 =	vld [tilespmem:s31+$0x90]  }
0x69: {  	v23 =	vmul.f32 v16, v7;
	v35 =	vadd.f32 v19, v35;
	v19 =	vmul.f32 v34, v3;
	v27 =	vld [tilespmem:s31+$0xA0]  }
0x6a: {  	v16 =	vmul.f32 v16, v8;
	v28 =	vadd.f32 v28, v42;
	v42 =	vmul.f32 v34, v4  }
0x6b: {  	v45 =	vadd.f32 v17, v14;
	v14 =	vmul.f32 v34, v5;
	v17 =	vmul.f32 v20, v6  }
0x6c: {  	v18 =	vadd.f32 v22, v18;
	v46 =	vmul.f32 v20, v7;
	v34 =	vmul.f32 v37, v3  }
0x6d: {  	v47 =	vmul.f32 v20, v8;
	v21 =	vadd.f32 v19, v21;
	v19 =	vmul.f32 v37, v4  }
0x6e: {  	v22 =	vadd.f32 v42, v23;
	v37 =	vmul.f32 v37, v5;
	v42 =	vmul.f32 v24, v3  }
0x6f: {  	v23 =	vadd.f32 v14, v16;
	v20 =	vadd.f32 v34, v17;
	v14 =	vmul.f32 v24, v4  }
0x70: {  	v24 =	vmul.f32 v38, v0;
	v19 =	vadd.f32 v19, v46;
	v17 =	vadd.f32 v37, v47  }
0x71: {  	v34 =	vmul.f32 v38, v1;
	v16 =	vadd.f32 v42, v25;
	v14 =	vadd.f32 v14, v26  }
0x72: {  	v24 =	vadd.f32 v24, v35;
	v25 =	vmul.f32 v38, v2;
	v26 =	vmul.f32 v32, v0  }
0x73: {  	v28 =	vadd.f32 v34, v28;
	v34 =	vmul.f32 v32, v1;
	v32 =	vmul.f32 v32, v2  }
0x74: {  	v37 =	vmul.f32 v40, v0;
	v38 =	vmul.f32 v40, v1;
	v25 =	vadd.f32 v25, v45;
	[tilespmem:s28+$0xFFFFFF40] =	vst v24  }
0x75: {  	v26 =	vadd.f32 v26, v29;
	v24 =	vmul.f32 v41, v0;
	[tilespmem:s28+$0xFFFFFFC0] =	vst v28;
	v28 =	vmul.f32 v40, v2  }
.Ltmp2:
0x76: {  	v35 =	vmul.f32 v41, v2;
	v29 =	vadd.f32 v34, v31;
	v34 =	vmul.f32 v41, v1;
	[tilespmem:s28+$0x40] =	vst v25;
	(pc) =	sbr.rel @p2 .LBB2_2-.Ltmp2, $4  }
0x77: {  	v36 =	vadd.f32 v32, v36;
	v31 =	vmul.f32 v43, v0;
	v25 =	vmul.f32 v43, v1;
	[tilespmem:s28+$0xFFFFFF50] =	vst v26  }
0x78: {  	v32 =	vmul.f32 v43, v2;
	v26 =	vmul.f32 v44, v0;
	[tilespmem:s28+$0xFFFFFFD0] =	vst v29;
	v29 =	vadd.f32 v37, v30  }
0x79: {  	v30 =	vmul.f32 v44, v2;
	[tilespmem:s28+$0x50] =	vst v36;
	v36 =	vadd.f32 v38, v33;
	v33 =	vmul.f32 v44, v1  }
0x7a: {  	s31 =	sadd.s32 $0x200, s31;
	v37 =	vadd.f32 v28, v39;
	v28 =	vmul.f32 v27, v1;
	[tilespmem:s28+$0xFFFFFF60] =	vst v29;
	v29 =	vmul.f32 v27, v0  }
0x7b: {  	[tilespmem:s28+$0xFFFFFFE0] =	vst v36;
	v11 =	vadd.f32 v24, v11  }
0x7c: {  	v10 =	vadd.f32 v34, v10;
	[tilespmem:s28+$0x60] =	vst v37  }
0x7d: {  	v12 =	vadd.f32 v35, v12;
	[tilespmem:s28+$0xFFFFFF70] =	vst v11  }
0x7e: {  	v11 =	vadd.f32 v31, v13;
	[tilespmem:s28+$0xFFFFFFF0] =	vst v10  }
0x7f: {  	v10 =	vadd.f32 v25, v15;
	[tilespmem:s28+$0x70] =	vst v12  }
0x80: {  	v12 =	vadd.f32 v32, v18;
	[tilespmem:s28+$0xFFFFFF80] =	vst v11  }
0x81: {  	v13 =	vadd.f32 v29, v20;
	[tilespmem:s28+$0x0] =	vst v10  }
0x82: {  	v11 =	vadd.f32 v26, v21;
	[tilespmem:s28+$0x80] =	vst v12  }
0x83: {  	v10 =	vadd.f32 v33, v22;
	[tilespmem:s29+$0xFFFFFFA0] =	vst v13  }
0x84: {  	v15 =	vadd.f32 v28, v19;
	[tilespmem:s28+$0xFFFFFF90] =	vst v11;
	v11 =	vmul.f32 v27, v2  }
0x85: {  	v12 =	vadd.f32 v30, v23;
	[tilespmem:s28+$0x10] =	vst v10;
	v10 =	vmul.f32 v9, v0  }
0x86: {  	[tilespmem:s29+$0x20] =	vst v15;
	v9 =	vmul.f32 v9, v1;
	v11 =	vadd.f32 v11, v17  }
0x87: {  	[tilespmem:s28+$0x90] =	vst v12;
	v10 =	vadd.f32 v10, v16  }
0x88: {  	v9 =	vadd.f32 v9, v14;
	[tilespmem:s29+$0xA0] =	vst v11  }
0x89: {  	[tilespmem:s29+$0xFFFFFFB0] =	vst v10  }
0x8a: {  	[tilespmem:s29+$0x30] =	vst v9  }
0x8b: {  	[hbm4b:s8+s2] =	stream.linear.scatter [tilespmem:s19], [sflag:$0x3], $0x7C00, $0x38;
	[tilespmem:$0x1F480] =	vst v63  }
0x8c: {  	_ = 	snop  }
0x8d: {  	[tilespmem:s2], [sflag:$0x1] =	stream.linear.gather [hbm4b:s9+s2], $0x7C00, $0x38;
	[tilespmem:$0x1F480] =	vst v63  }
0x8e: {  	_ =	swait.ge [sflag:s20], $0x7C00  }
0x8f: {  	[sflag:s20] =	ssyncset.done $0x0  }
0x90: {  	s29 =	simm.s32 $0x7CC0;
	[sflag:s20] =	ssyncadd.s32 $0xFFFF8400  }
0x91: {  	v10 =	vld [tilespmem:s29+$0xFFFFFFB0]  }
0x92: {  	v14 =	vld [tilespmem:s29+$0x30]  }
0x93: {  	v11 =	vld [tilespmem:s29+$0xFFFFFFC0]  }
0x94: {  	v9 =	vld [tilespmem:s29+$0xB0]  }
0x95: {  	v12 =	vld [tilespmem:s29+$0xFFFFFF50]  }
0x96: {  	v13 =	vld [tilespmem:s29+$0xFFFFFFD0]  }
0x97: {  	v29 =	vld [tilespmem:s29+$0x0];
	v16 =	vmul.f32 v10, v6  }
0x98: {  	v51 =	vld [tilespmem:s29+$0xFFFFFFA0];
	v24 =	vmul.f32 v10, v7;
	v10 =	vmul.f32 v10, v8  }
0x99: {  	v17 =	vmul.f32 v14, v5;
	v18 =	vmul.f32 v11, v3  }
0x9a: {  	v19 =	vmul.f32 v11, v4;
	v21 =	vmul.f32 v11, v5  }
0x9b: {  	v43 =	vld [tilespmem:s29+$0x50];
	v11 =	vmul.f32 v9, v2;
	v23 =	vmul.f32 v12, v7  }
0x9c: {  	v45 =	vld [tilespmem:s29+$0x60];
	v26 =	vmul.f32 v13, v3;
	v27 =	vmul.f32 v13, v4  }
0x9d: {  	v15 =	vld [tilespmem:s29+$0xFFFFFF60];
	v50 =	vmul.f32 v29, v3;
	v54 =	vmul.f32 v51, v6  }
0x9e: {  	v20 =	vld [tilespmem:s29+$0xFFFFFFE0];
	v42 =	vmul.f32 v51, v7;
	v36 =	vmul.f32 v51, v8  }
0x9f: {  	v55 =	vmul.f32 v14, v3;
	v14 =	vmul.f32 v14, v4  }
0xa0: {  	v57 =	vmul.f32 v43, v0;
	v58 =	vmul.f32 v43, v1  }
0xa1: {  	v25 =	vld [tilespmem:s29+$0xFFFFFFF0];
	v59 =	vmul.f32 v43, v2;
	v61 =	vmul.f32 v45, v0;
	v10 =	vadd.f32 v17, v10  }
0xa2: {  	v22 =	vld [tilespmem:s29+$0xFFFFFF70];
	v62 =	vmul.f32 v45, v1;
	v17 =	vmul.f32 v12, v6;
	v30 =	vadd.f32 v27, v23  }
0xa3: {  	v23 =	vmul.f32 v15, v7;
	v27 =	vmul.f32 v20, v4;
	v28 =	vadd.f32 v11, v10  }
0xa4: {  	v10 =	vmul.f32 v12, v8;
	v11 =	vmul.f32 v13, v5;
	v26 =	vadd.f32 v26, v17  }
0xa5: {  	v12 =	vmul.f32 v15, v6;
	v17 =	vmul.f32 v20, v3;
	v33 =	vadd.f32 v27, v23  }
0xa6: {  	v13 =	vld [tilespmem:s29+$0xFFFFFF80];
	v23 =	vmul.f32 v25, v4;
	v31 =	vadd.f32 v11, v10;
	v10 =	vmul.f32 v15, v8  }
0xa7: {  	v27 =	vld [tilespmem:s29+$0xFFFFFF90];
	v11 =	vmul.f32 v20, v5;
	v63 =	vadd.f32 v17, v12;
	v12 =	vmul.f32 v22, v6  }
0xa8: {  	v14 =	vadd.f32 v14, v24;
	v15 =	vmul.f32 v25, v3;
	v17 =	vld [tilespmem:s29+$0xFFFFFF40];
	v20 =	vmul.f32 v22, v7  }
0xa9: {  	v22 =	vmul.f32 v22, v8;
	v25 =	vmul.f32 v25, v5;
	v48 =	vadd.f32 v11, v10  }
0xaa: {  	v49 =	vld [tilespmem:s29+$0x10];
	v11 =	vadd.f32 v15, v12;
	v10 =	vadd.f32 v23, v20;
	v23 =	vmul.f32 v29, v4  }
0xab: {  	v12 =	vadd.f32 v25, v22;
	v25 =	vmul.f32 v29, v5;
	v15 =	vmul.f32 v13, v6  }
0xac: {  	v30 =	vadd.f32 v58, v30;
	v29 =	vld [tilespmem:s29+$0x20];
	v20 =	vmul.f32 v13, v7;
	v22 =	vmul.f32 v13, v8  }
0xad: {  	v26 =	vadd.f32 v57, v26;
	v53 =	vmul.f32 v27, v7;
	v38 =	vmul.f32 v17, v6  }
0xae: {  	v40 =	vld [tilespmem:s29+$0x40];
	v39 =	vmul.f32 v17, v7;
	v13 =	vadd.f32 v50, v15;
	v17 =	vmul.f32 v17, v8  }
0xaf: {  	v56 =	vld [tilespmem:s29+$0x80];
	v15 =	vadd.f32 v23, v20;
	v20 =	vmul.f32 v27, v6;
	v23 =	vmul.f32 v49, v3  }
0xb0: {  	s28 =	simm.s32 $0x174C0;
	v27 =	vmul.f32 v27, v8;
	v52 =	vadd.f32 v18, v38;
	v41 =	vadd.f32 v21, v17  }
0xb1: {  	[tilespmem:s28+$0xB0] =	vst v28;
	v28 =	vld [tilespmem:s29+$0x90];
	v17 =	vmul.f32 v49, v5;
	v18 =	vadd.f32 v25, v22;
	v25 =	vmul.f32 v29, v3  }
0xb2: {  	v39 =	vadd.f32 v19, v39;
	v44 =	vmul.f32 v29, v4;
	v29 =	vmul.f32 v29, v5  }
0xb3: {  	v21 =	vadd.f32 v23, v20;
	v23 =	vadd.f32 v17, v27;
	v27 =	vmul.f32 v40, v0  }
0xb4: {  	v32 =	vmul.f32 v56, v2;
	v20 =	vadd.f32 v25, v54;
	v17 =	vadd.f32 v29, v36  }
0xb5: {  	v25 =	vld [tilespmem:s29+$0x70];
	v29 =	vmul.f32 v40, v1;
	v24 =	vadd.f32 v27, v52;
	v27 =	vmul.f32 v40, v2  }
0xb6: {  	v16 =	vadd.f32 v55, v16;
	[tilespmem:s28+$0xFFFFFF50] =	vst v26;
	v63 =	vadd.f32 v61, v63;
	v26 =	vmul.f32 v28, v0  }
0xb7: {  	[tilespmem:s28+$0xFFFFFFD0] =	vst v30;
	v30 =	vmul.f32 v28, v2;
	v29 =	vadd.f32 v29, v39;
	v60 =	vadd.f32 v27, v41;
	v27 =	vld [tilespmem:s29+$0xA0]  }
0xb8: {  	[tilespmem:s28+$0xFFFFFF60] =	vst v63;
	v19 =	vmul.f32 v49, v4;
	v38 =	vadd.f32 v59, v31;
	v31 =	vmul.f32 v56, v0  }
0xb9: {  	v36 =	vadd.f32 v62, v33;
	v33 =	vmul.f32 v28, v1;
	[tilespmem:s28+$0xFFFFFFC0] =	vst v29;
	v29 =	vmul.f32 v45, v2  }
0xba: {  	v22 =	vadd.f32 v19, v53;
	[tilespmem:s28+$0xFFFFFF40] =	vst v24;
	v24 =	vmul.f32 v25, v0;
	v34 =	vmul.f32 v25, v1  }
0xbb: {  	v19 =	vadd.f32 v44, v42;
	[tilespmem:s28+$0x50] =	vst v38;
	v35 =	vmul.f32 v25, v2;
	v25 =	vmul.f32 v56, v1  }
0xbc: {  	s30 =	simm.s32 $0x0;
	s31 =	simm.s32 $0x7EC0;
	s29 =	simm.s32 $0x174C0;
	[tilespmem:s28+$0x40] =	vst v60;
	v37 =	vadd.f32 v29, v48;
	v29 =	vmul.f32 v27, v0;
	v28 =	vmul.f32 v27, v1  }
.LBB2_4:
0xbd: {  	v38 =	vld [tilespmem:s31+$0xFFFFFFB0];
	[tilespmem:s28+$0xFFFFFFE0] =	vst v36;
	v11 =	vadd.f32 v24, v11;
	v27 =	vmul.f32 v27, v2;
	v36 =	vmul.f32 v9, v0  }
0xbe: {  	s30 =	sadd.s32 $0x80, s30;
	v10 =	vadd.f32 v34, v10;
	v12 =	vadd.f32 v35, v12;
	v34 =	vmul.f32 v9, v1;
	v24 =	vld [tilespmem:s31+$0x30];
	[tilespmem:s28+$0x60] =	vst v37  }
0xbf: {  	p2 =	slt.u32 s30, $0x1E80;
	v35 =	vld [tilespmem:s31+$0xFFFFFFC0];
	[tilespmem:s28+$0xFFFFFF70] =	vst v11;
	v11 =	vadd.f32 v31, v13;
	v13 =	vadd.f32 v25, v15  }
0xc0: {  	v15 =	vadd.f32 v26, v21;
	v9 =	vld [tilespmem:s31+$0xB0];
	[tilespmem:s28+$0xFFFFFFF0] =	vst v10;
	v10 =	vadd.f32 v32, v18  }
0xc1: {  	v21 =	vadd.f32 v30, v23;
	v18 =	vld [tilespmem:s31+$0xFFFFFF50];
	[tilespmem:s28+$0x70] =	vst v12;
	v12 =	vadd.f32 v33, v22  }
0xc2: {  	v22 =	vld [tilespmem:s31+$0xFFFFFFD0];
	v25 =	vmul.f32 v38, v6;
	v26 =	vmul.f32 v38, v7;
	[tilespmem:s28+$0xFFFFFF80] =	vst v11;
	v11 =	vadd.f32 v29, v20  }
0xc3: {  	v23 =	vmul.f32 v38, v8;
	v20 =	vld [tilespmem:s31+$0xFFFFFF60];
	v29 =	vmul.f32 v24, v5;
	[tilespmem:s28+$0x0] =	vst v13;
	v13 =	vadd.f32 v28, v19  }
0xc4: {  	v19 =	vmul.f32 v35, v3;
	v28 =	vmul.f32 v35, v4;
	v30 =	vld [tilespmem:s31+$0xFFFFFFE0];
	[tilespmem:s28+$0x80] =	vst v10;
	v10 =	vadd.f32 v27, v17  }
0xc5: {  	v17 =	vmul.f32 v35, v5;
	v27 =	vld [tilespmem:s31+$0xFFFFFF70];
	v23 =	vadd.f32 v29, v23;
	v29 =	vmul.f32 v9, v2;
	[tilespmem:s28+$0xFFFFFF90] =	vst v15  }
0xc6: {  	v15 =	vmul.f32 v18, v6;
	v31 =	vmul.f32 v18, v7;
	v32 =	vld [tilespmem:s31+$0xFFFFFFF0];
	[tilespmem:s28+$0x10] =	vst v12;
	v12 =	vadd.f32 v36, v16  }
0xc7: {  	v16 =	vmul.f32 v22, v3;
	v33 =	vmul.f32 v22, v4;
	v35 =	vld [tilespmem:s31+$0xFFFFFF80];
	v23 =	vadd.f32 v29, v23;
	[tilespmem:s28+$0x90] =	vst v21  }
0xc8: {  	v18 =	vmul.f32 v18, v8;
	v21 =	vmul.f32 v22, v5;
	s28 =	sadd.s32 $0x200, s28;
	v22 =	vld [tilespmem:s31+$0x0];
	[tilespmem:s29+$0xFFFFFFA0] =	vst v11;
	v11 =	vadd.f32 v34, v14  }
0xc9: {  	v14 =	vmul.f32 v20, v6;
	v29 =	vadd.f32 v16, v15;
	v15 =	vmul.f32 v30, v3;
	v16 =	vld [tilespmem:s31+$0xFFFFFF90];
	[tilespmem:s28+$0xB0] =	vst v23  }
0xca: {  	v31 =	vadd.f32 v33, v31;
	v23 =	vmul.f32 v20, v7;
	v33 =	vmul.f32 v30, v4;
	v34 =	vld [tilespmem:s31+$0x10];
	[tilespmem:s29+$0x20] =	vst v13  }
0xcb: {  	v36 =	vadd.f32 v21, v18;
	v18 =	vmul.f32 v30, v5;
	v13 =	vmul.f32 v20, v8;
	v20 =	vld [tilespmem:s31+$0xFFFFFFA0];
	[tilespmem:s29+$0xA0] =	vst v10  }
0xcc: {  	v30 =	vadd.f32 v15, v14;
	v10 =	vmul.f32 v27, v6;
	v14 =	vmul.f32 v32, v3;
	v37 =	vld [tilespmem:s31+$0x20];
	[tilespmem:s29+$0xFFFFFFB0] =	vst v12  }
0xcd: {  	v33 =	vadd.f32 v33, v23;
	v21 =	vmul.f32 v32, v4;
	v12 =	vmul.f32 v27, v7;
	v15 =	vld [tilespmem:s31+$0xFFFFFF40];
	[tilespmem:s29+$0x30] =	vst v11;
	s29 =	smov.u32 s28  }
0xce: {  	v39 =	vadd.f32 v18, v13;
	v13 =	vmul.f32 v27, v8;
	v18 =	vmul.f32 v32, v5;
	v38 =	vld [tilespmem:s31+$0x40]  }
0xcf: {  	v11 =	vadd.f32 v14, v10;
	v14 =	vmul.f32 v35, v6;
	v23 =	vmul.f32 v22, v3;
	v32 =	vld [tilespmem:s31+$0x50]  }
0xd0: {  	v27 =	vmul.f32 v22, v4;
	v10 =	vadd.f32 v21, v12;
	v21 =	vmul.f32 v35, v7;
	v40 =	vld [tilespmem:s31+$0x60]  }
0xd1: {  	v22 =	vmul.f32 v22, v5;
	v12 =	vadd.f32 v18, v13;
	v18 =	vmul.f32 v35, v8;
	v41 =	vld [tilespmem:s31+$0x70]  }
0xd2: {  	v13 =	vadd.f32 v23, v14;
	v35 =	vmul.f32 v15, v6;
	v42 =	vmul.f32 v15, v7;
	v43 =	vld [tilespmem:s31+$0x80]  }
0xd3: {  	v14 =	vmul.f32 v15, v8;
	v15 =	vadd.f32 v27, v21;
	v21 =	vmul.f32 v16, v6;
	v44 =	vld [tilespmem:s31+$0x90]  }
0xd4: {  	v23 =	vmul.f32 v16, v7;
	v35 =	vadd.f32 v19, v35;
	v19 =	vmul.f32 v34, v3;
	v27 =	vld [tilespmem:s31+$0xA0]  }
0xd5: {  	v16 =	vmul.f32 v16, v8;
	v28 =	vadd.f32 v28, v42;
	v42 =	vmul.f32 v34, v4  }
0xd6: {  	v45 =	vadd.f32 v17, v14;
	v14 =	vmul.f32 v34, v5;
	v17 =	vmul.f32 v20, v6  }
0xd7: {  	v18 =	vadd.f32 v22, v18;
	v46 =	vmul.f32 v20, v7;
	v34 =	vmul.f32 v37, v3  }
0xd8: {  	v47 =	vmul.f32 v20, v8;
	v21 =	vadd.f32 v19, v21;
	v19 =	vmul.f32 v37, v4  }
0xd9: {  	v22 =	vadd.f32 v42, v23;
	v37 =	vmul.f32 v37, v5;
	v42 =	vmul.f32 v24, v3  }
0xda: {  	v23 =	vadd.f32 v14, v16;
	v20 =	vadd.f32 v34, v17;
	v14 =	vmul.f32 v24, v4  }
0xdb: {  	v24 =	vmul.f32 v38, v0;
	v19 =	vadd.f32 v19, v46;
	v17 =	vadd.f32 v37, v47  }
0xdc: {  	v34 =	vmul.f32 v38, v1;
	v16 =	vadd.f32 v42, v25;
	v14 =	vadd.f32 v14, v26  }
0xdd: {  	v24 =	vadd.f32 v24, v35;
	v25 =	vmul.f32 v38, v2;
	v26 =	vmul.f32 v32, v0  }
0xde: {  	v28 =	vadd.f32 v34, v28;
	v34 =	vmul.f32 v32, v1;
	v32 =	vmul.f32 v32, v2  }
0xdf: {  	v37 =	vmul.f32 v40, v0;
	v38 =	vmul.f32 v40, v1;
	v25 =	vadd.f32 v25, v45;
	[tilespmem:s28+$0xFFFFFF40] =	vst v24  }
0xe0: {  	v26 =	vadd.f32 v26, v29;
	v24 =	vmul.f32 v41, v0;
	[tilespmem:s28+$0xFFFFFFC0] =	vst v28;
	v28 =	vmul.f32 v40, v2  }
.Ltmp3:
0xe1: {  	v35 =	vmul.f32 v41, v2;
	v29 =	vadd.f32 v34, v31;
	v34 =	vmul.f32 v41, v1;
	[tilespmem:s28+$0x40] =	vst v25;
	(pc) =	sbr.rel @p2 .LBB2_4-.Ltmp3, $4  }
0xe2: {  	v36 =	vadd.f32 v32, v36;
	v31 =	vmul.f32 v43, v0;
	v25 =	vmul.f32 v43, v1;
	[tilespmem:s28+$0xFFFFFF50] =	vst v26  }
0xe3: {  	v32 =	vmul.f32 v43, v2;
	v26 =	vmul.f32 v44, v0;
	[tilespmem:s28+$0xFFFFFFD0] =	vst v29;
	v29 =	vadd.f32 v37, v30  }
0xe4: {  	v30 =	vmul.f32 v44, v2;
	[tilespmem:s28+$0x50] =	vst v36;
	v36 =	vadd.f32 v38, v33;
	v33 =	vmul.f32 v44, v1  }
0xe5: {  	s31 =	sadd.s32 $0x200, s31;
	v37 =	vadd.f32 v28, v39;
	v28 =	vmul.f32 v27, v1;
	[tilespmem:s28+$0xFFFFFF60] =	vst v29;
	v29 =	vmul.f32 v27, v0  }
0xe6: {  	[tilespmem:s28+$0xFFFFFFE0] =	vst v36;
	v11 =	vadd.f32 v24, v11  }
0xe7: {  	v10 =	vadd.f32 v34, v10;
	[tilespmem:s28+$0x60] =	vst v37  }
0xe8: {  	v12 =	vadd.f32 v35, v12;
	[tilespmem:s28+$0xFFFFFF70] =	vst v11  }
0xe9: {  	v11 =	vadd.f32 v31, v13;
	[tilespmem:s28+$0xFFFFFFF0] =	vst v10  }
0xea: {  	v10 =	vadd.f32 v25, v15;
	[tilespmem:s28+$0x70] =	vst v12  }
0xeb: {  	v12 =	vadd.f32 v32, v18;
	[tilespmem:s28+$0xFFFFFF80] =	vst v11  }
0xec: {  	v13 =	vadd.f32 v29, v20;
	[tilespmem:s28+$0x0] =	vst v10  }
0xed: {  	v11 =	vadd.f32 v26, v21;
	[tilespmem:s28+$0x80] =	vst v12  }
0xee: {  	v10 =	vadd.f32 v33, v22;
	[tilespmem:s29+$0xFFFFFFA0] =	vst v13  }
0xef: {  	v15 =	vadd.f32 v28, v19;
	[tilespmem:s28+$0xFFFFFF90] =	vst v11;
	v11 =	vmul.f32 v27, v2  }
0xf0: {  	v12 =	vadd.f32 v30, v23;
	[tilespmem:s28+$0x10] =	vst v10;
	v10 =	vmul.f32 v9, v0  }
0xf1: {  	[tilespmem:s29+$0x20] =	vst v15;
	v9 =	vmul.f32 v9, v1;
	v11 =	vadd.f32 v11, v17  }
0xf2: {  	[tilespmem:s28+$0x90] =	vst v12;
	v10 =	vadd.f32 v10, v16  }
0xf3: {  	v9 =	vadd.f32 v9, v14;
	[tilespmem:s29+$0xA0] =	vst v11  }
0xf4: {  	[tilespmem:s29+$0xFFFFFFB0] =	vst v10  }
0xf5: {  	[tilespmem:s29+$0x30] =	vst v9  }
0xf6: {  	[hbm4b:s10+s2] =	stream.linear.scatter [tilespmem:s21], [sflag:$0x4], $0x7C00, $0x38;
	[tilespmem:$0x1F480] =	vst v63  }
0xf7: {  	_ =	swait.ge [sflag:s18], $0x7C00  }
0xf8: {  	[sflag:s18] =	ssyncset.done $0x0  }
0xf9: {  	[sflag:s18] =	ssyncadd.s32 $0xFFFF8400  }
0xfa: {  	_ =	swait.ge [sflag:s22], $0x7C00  }
0xfb: {  	[sflag:s22] =	ssyncset.done $0x0  }
0xfc: {  	s29 =	simm.s32 $0xC0;
	[sflag:s22] =	ssyncadd.s32 $0xFFFF8400  }
0xfd: {  	v10 =	vld [tilespmem:s29+$0xFFFFFFB0]  }
0xfe: {  	v14 =	vld [tilespmem:s29+$0x30]  }
0xff: {  	v11 =	vld [tilespmem:s29+$0xFFFFFFC0]  }
0x100: {  	v9 =	vld [tilespmem:s29+$0xB0]  }
0x101: {  	v12 =	vld [tilespmem:s29+$0xFFFFFF50]  }
0x102: {  	v13 =	vld [tilespmem:s29+$0xFFFFFFD0]  }
0x103: {  	v29 =	vld [tilespmem:s29+$0x0];
	v16 =	vmul.f32 v10, v6  }
0x104: {  	v51 =	vld [tilespmem:s29+$0xFFFFFFA0];
	v24 =	vmul.f32 v10, v7;
	v10 =	vmul.f32 v10, v8  }
0x105: {  	v17 =	vmul.f32 v14, v5;
	v18 =	vmul.f32 v11, v3  }
0x106: {  	v19 =	vmul.f32 v11, v4;
	v21 =	vmul.f32 v11, v5  }
0x107: {  	v43 =	vld [tilespmem:s29+$0x50];
	v11 =	vmul.f32 v9, v2;
	v23 =	vmul.f32 v12, v7  }
0x108: {  	v45 =	vld [tilespmem:s29+$0x60];
	v26 =	vmul.f32 v13, v3;
	v27 =	vmul.f32 v13, v4  }
0x109: {  	v15 =	vld [tilespmem:s29+$0xFFFFFF60];
	v50 =	vmul.f32 v29, v3;
	v54 =	vmul.f32 v51, v6  }
0x10a: {  	v20 =	vld [tilespmem:s29+$0xFFFFFFE0];
	v42 =	vmul.f32 v51, v7;
	v36 =	vmul.f32 v51, v8  }
0x10b: {  	v55 =	vmul.f32 v14, v3;
	v14 =	vmul.f32 v14, v4  }
0x10c: {  	v57 =	vmul.f32 v43, v0;
	v58 =	vmul.f32 v43, v1  }
0x10d: {  	v25 =	vld [tilespmem:s29+$0xFFFFFFF0];
	v59 =	vmul.f32 v43, v2;
	v61 =	vmul.f32 v45, v0;
	v10 =	vadd.f32 v17, v10  }
0x10e: {  	v22 =	vld [tilespmem:s29+$0xFFFFFF70];
	v62 =	vmul.f32 v45, v1;
	v17 =	vmul.f32 v12, v6;
	v30 =	vadd.f32 v27, v23  }
0x10f: {  	v23 =	vmul.f32 v15, v7;
	v27 =	vmul.f32 v20, v4;
	v28 =	vadd.f32 v11, v10  }
0x110: {  	v10 =	vmul.f32 v12, v8;
	v11 =	vmul.f32 v13, v5;
	v26 =	vadd.f32 v26, v17  }
0x111: {  	v12 =	vmul.f32 v15, v6;
	v17 =	vmul.f32 v20, v3;
	v33 =	vadd.f32 v27, v23  }
0x112: {  	v13 =	vld [tilespmem:s29+$0xFFFFFF80];
	v23 =	vmul.f32 v25, v4;
	v31 =	vadd.f32 v11, v10;
	v10 =	vmul.f32 v15, v8  }
0x113: {  	v27 =	vld [tilespmem:s29+$0xFFFFFF90];
	v11 =	vmul.f32 v20, v5;
	v63 =	vadd.f32 v17, v12;
	v12 =	vmul.f32 v22, v6  }
0x114: {  	v14 =	vadd.f32 v14, v24;
	v15 =	vmul.f32 v25, v3;
	v17 =	vld [tilespmem:s29+$0xFFFFFF40];
	v20 =	vmul.f32 v22, v7  }
0x115: {  	v22 =	vmul.f32 v22, v8;
	v25 =	vmul.f32 v25, v5;
	v48 =	vadd.f32 v11, v10  }
0x116: {  	v49 =	vld [tilespmem:s29+$0x10];
	v11 =	vadd.f32 v15, v12;
	v10 =	vadd.f32 v23, v20;
	v23 =	vmul.f32 v29, v4  }
0x117: {  	v12 =	vadd.f32 v25, v22;
	v25 =	vmul.f32 v29, v5;
	v15 =	vmul.f32 v13, v6  }
0x118: {  	v30 =	vadd.f32 v58, v30;
	v29 =	vld [tilespmem:s29+$0x20];
	v20 =	vmul.f32 v13, v7;
	v22 =	vmul.f32 v13, v8  }
0x119: {  	v26 =	vadd.f32 v57, v26;
	v53 =	vmul.f32 v27, v7;
	v38 =	vmul.f32 v17, v6  }
0x11a: {  	v40 =	vld [tilespmem:s29+$0x40];
	v39 =	vmul.f32 v17, v7;
	v13 =	vadd.f32 v50, v15;
	v17 =	vmul.f32 v17, v8  }
0x11b: {  	v56 =	vld [tilespmem:s29+$0x80];
	v15 =	vadd.f32 v23, v20;
	v20 =	vmul.f32 v27, v6;
	v23 =	vmul.f32 v49, v3  }
0x11c: {  	s28 =	simm.s32 $0xF8C0;
	v27 =	vmul.f32 v27, v8;
	v52 =	vadd.f32 v18, v38;
	v41 =	vadd.f32 v21, v17  }
0x11d: {  	[tilespmem:s28+$0xB0] =	vst v28;
	v28 =	vld [tilespmem:s29+$0x90];
	v17 =	vmul.f32 v49, v5;
	v18 =	vadd.f32 v25, v22;
	v25 =	vmul.f32 v29, v3  }
0x11e: {  	v39 =	vadd.f32 v19, v39;
	v44 =	vmul.f32 v29, v4;
	v29 =	vmul.f32 v29, v5  }
0x11f: {  	v21 =	vadd.f32 v23, v20;
	v23 =	vadd.f32 v17, v27;
	v27 =	vmul.f32 v40, v0  }
0x120: {  	v32 =	vmul.f32 v56, v2;
	v20 =	vadd.f32 v25, v54;
	v17 =	vadd.f32 v29, v36  }
0x121: {  	v25 =	vld [tilespmem:s29+$0x70];
	v29 =	vmul.f32 v40, v1;
	v24 =	vadd.f32 v27, v52;
	v27 =	vmul.f32 v40, v2  }
0x122: {  	v16 =	vadd.f32 v55, v16;
	[tilespmem:s28+$0xFFFFFF50] =	vst v26;
	v63 =	vadd.f32 v61, v63;
	v26 =	vmul.f32 v28, v0  }
0x123: {  	[tilespmem:s28+$0xFFFFFFD0] =	vst v30;
	v30 =	vmul.f32 v28, v2;
	v29 =	vadd.f32 v29, v39;
	v60 =	vadd.f32 v27, v41;
	v27 =	vld [tilespmem:s29+$0xA0]  }
0x124: {  	[tilespmem:s28+$0xFFFFFF60] =	vst v63;
	v19 =	vmul.f32 v49, v4;
	v38 =	vadd.f32 v59, v31;
	v31 =	vmul.f32 v56, v0  }
0x125: {  	v36 =	vadd.f32 v62, v33;
	v33 =	vmul.f32 v28, v1;
	[tilespmem:s28+$0xFFFFFFC0] =	vst v29;
	v29 =	vmul.f32 v45, v2  }
0x126: {  	v22 =	vadd.f32 v19, v53;
	[tilespmem:s28+$0xFFFFFF40] =	vst v24;
	v24 =	vmul.f32 v25, v0;
	v34 =	vmul.f32 v25, v1  }
0x127: {  	v19 =	vadd.f32 v44, v42;
	[tilespmem:s28+$0x50] =	vst v38;
	v35 =	vmul.f32 v25, v2;
	v25 =	vmul.f32 v56, v1  }
0x128: {  	s30 =	simm.s32 $0x0;
	s31 =	simm.s32 $0x2C0;
	s29 =	simm.s32 $0xF8C0;
	[tilespmem:s28+$0x40] =	vst v60;
	v37 =	vadd.f32 v29, v48;
	v29 =	vmul.f32 v27, v0;
	v28 =	vmul.f32 v27, v1  }
.LBB2_6:
0x129: {  	v38 =	vld [tilespmem:s31+$0xFFFFFFB0];
	[tilespmem:s28+$0xFFFFFFE0] =	vst v36;
	v11 =	vadd.f32 v24, v11;
	v27 =	vmul.f32 v27, v2;
	v36 =	vmul.f32 v9, v0  }
0x12a: {  	s30 =	sadd.s32 $0x80, s30;
	v10 =	vadd.f32 v34, v10;
	v12 =	vadd.f32 v35, v12;
	v34 =	vmul.f32 v9, v1;
	v24 =	vld [tilespmem:s31+$0x30];
	[tilespmem:s28+$0x60] =	vst v37  }
0x12b: {  	p2 =	slt.u32 s30, $0x1E80;
	v35 =	vld [tilespmem:s31+$0xFFFFFFC0];
	[tilespmem:s28+$0xFFFFFF70] =	vst v11;
	v11 =	vadd.f32 v31, v13;
	v13 =	vadd.f32 v25, v15  }
0x12c: {  	v15 =	vadd.f32 v26, v21;
	v9 =	vld [tilespmem:s31+$0xB0];
	[tilespmem:s28+$0xFFFFFFF0] =	vst v10;
	v10 =	vadd.f32 v32, v18  }
0x12d: {  	v21 =	vadd.f32 v30, v23;
	v18 =	vld [tilespmem:s31+$0xFFFFFF50];
	[tilespmem:s28+$0x70] =	vst v12;
	v12 =	vadd.f32 v33, v22  }
0x12e: {  	v22 =	vld [tilespmem:s31+$0xFFFFFFD0];
	v25 =	vmul.f32 v38, v6;
	v26 =	vmul.f32 v38, v7;
	[tilespmem:s28+$0xFFFFFF80] =	vst v11;
	v11 =	vadd.f32 v29, v20  }
0x12f: {  	v23 =	vmul.f32 v38, v8;
	v20 =	vld [tilespmem:s31+$0xFFFFFF60];
	v29 =	vmul.f32 v24, v5;
	[tilespmem:s28+$0x0] =	vst v13;
	v13 =	vadd.f32 v28, v19  }
0x130: {  	v19 =	vmul.f32 v35, v3;
	v28 =	vmul.f32 v35, v4;
	v30 =	vld [tilespmem:s31+$0xFFFFFFE0];
	[tilespmem:s28+$0x80] =	vst v10;
	v10 =	vadd.f32 v27, v17  }
0x131: {  	v17 =	vmul.f32 v35, v5;
	v27 =	vld [tilespmem:s31+$0xFFFFFF70];
	v23 =	vadd.f32 v29, v23;
	v29 =	vmul.f32 v9, v2;
	[tilespmem:s28+$0xFFFFFF90] =	vst v15  }
0x132: {  	v15 =	vmul.f32 v18, v6;
	v31 =	vmul.f32 v18, v7;
	v32 =	vld [tilespmem:s31+$0xFFFFFFF0];
	[tilespmem:s28+$0x10] =	vst v12;
	v12 =	vadd.f32 v36, v16  }
0x133: {  	v16 =	vmul.f32 v22, v3;
	v33 =	vmul.f32 v22, v4;
	v35 =	vld [tilespmem:s31+$0xFFFFFF80];
	v23 =	vadd.f32 v29, v23;
	[tilespmem:s28+$0x90] =	vst v21  }
0x134: {  	v18 =	vmul.f32 v18, v8;
	v21 =	vmul.f32 v22, v5;
	s28 =	sadd.s32 $0x200, s28;
	v22 =	vld [tilespmem:s31+$0x0];
	[tilespmem:s29+$0xFFFFFFA0] =	vst v11;
	v11 =	vadd.f32 v34, v14  }
0x135: {  	v14 =	vmul.f32 v20, v6;
	v29 =	vadd.f32 v16, v15;
	v15 =	vmul.f32 v30, v3;
	v16 =	vld [tilespmem:s31+$0xFFFFFF90];
	[tilespmem:s28+$0xB0] =	vst v23  }
0x136: {  	v31 =	vadd.f32 v33, v31;
	v23 =	vmul.f32 v20, v7;
	v33 =	vmul.f32 v30, v4;
	v34 =	vld [tilespmem:s31+$0x10];
	[tilespmem:s29+$0x20] =	vst v13  }
0x137: {  	v36 =	vadd.f32 v21, v18;
	v18 =	vmul.f32 v30, v5;
	v13 =	vmul.f32 v20, v8;
	v20 =	vld [tilespmem:s31+$0xFFFFFFA0];
	[tilespmem:s29+$0xA0] =	vst v10  }
0x138: {  	v30 =	vadd.f32 v15, v14;
	v10 =	vmul.f32 v27, v6;
	v14 =	vmul.f32 v32, v3;
	v37 =	vld [tilespmem:s31+$0x20];
	[tilespmem:s29+$0xFFFFFFB0] =	vst v12  }
0x139: {  	v33 =	vadd.f32 v33, v23;
	v21 =	vmul.f32 v32, v4;
	v12 =	vmul.f32 v27, v7;
	v15 =	vld [tilespmem:s31+$0xFFFFFF40];
	[tilespmem:s29+$0x30] =	vst v11;
	s29 =	smov.u32 s28  }
0x13a: {  	v39 =	vadd.f32 v18, v13;
	v13 =	vmul.f32 v27, v8;
	v18 =	vmul.f32 v32, v5;
	v38 =	vld [tilespmem:s31+$0x40]  }
0x13b: {  	v11 =	vadd.f32 v14, v10;
	v14 =	vmul.f32 v35, v6;
	v23 =	vmul.f32 v22, v3;
	v32 =	vld [tilespmem:s31+$0x50]  }
0x13c: {  	v27 =	vmul.f32 v22, v4;
	v10 =	vadd.f32 v21, v12;
	v21 =	vmul.f32 v35, v7;
	v40 =	vld [tilespmem:s31+$0x60]  }
0x13d: {  	v22 =	vmul.f32 v22, v5;
	v12 =	vadd.f32 v18, v13;
	v18 =	vmul.f32 v35, v8;
	v41 =	vld [tilespmem:s31+$0x70]  }
0x13e: {  	v13 =	vadd.f32 v23, v14;
	v35 =	vmul.f32 v15, v6;
	v42 =	vmul.f32 v15, v7;
	v43 =	vld [tilespmem:s31+$0x80]  }
0x13f: {  	v14 =	vmul.f32 v15, v8;
	v15 =	vadd.f32 v27, v21;
	v21 =	vmul.f32 v16, v6;
	v44 =	vld [tilespmem:s31+$0x90]  }
0x140: {  	v23 =	vmul.f32 v16, v7;
	v35 =	vadd.f32 v19, v35;
	v19 =	vmul.f32 v34, v3;
	v27 =	vld [tilespmem:s31+$0xA0]  }
0x141: {  	v16 =	vmul.f32 v16, v8;
	v28 =	vadd.f32 v28, v42;
	v42 =	vmul.f32 v34, v4  }
0x142: {  	v45 =	vadd.f32 v17, v14;
	v14 =	vmul.f32 v34, v5;
	v17 =	vmul.f32 v20, v6  }
0x143: {  	v18 =	vadd.f32 v22, v18;
	v46 =	vmul.f32 v20, v7;
	v34 =	vmul.f32 v37, v3  }
0x144: {  	v47 =	vmul.f32 v20, v8;
	v21 =	vadd.f32 v19, v21;
	v19 =	vmul.f32 v37, v4  }
0x145: {  	v22 =	vadd.f32 v42, v23;
	v37 =	vmul.f32 v37, v5;
	v42 =	vmul.f32 v24, v3  }
0x146: {  	v23 =	vadd.f32 v14, v16;
	v20 =	vadd.f32 v34, v17;
	v14 =	vmul.f32 v24, v4  }
0x147: {  	v24 =	vmul.f32 v38, v0;
	v19 =	vadd.f32 v19, v46;
	v17 =	vadd.f32 v37, v47  }
0x148: {  	v34 =	vmul.f32 v38, v1;
	v16 =	vadd.f32 v42, v25;
	v14 =	vadd.f32 v14, v26  }
0x149: {  	v24 =	vadd.f32 v24, v35;
	v25 =	vmul.f32 v38, v2;
	v26 =	vmul.f32 v32, v0  }
0x14a: {  	v28 =	vadd.f32 v34, v28;
	v34 =	vmul.f32 v32, v1;
	v32 =	vmul.f32 v32, v2  }
0x14b: {  	v37 =	vmul.f32 v40, v0;
	v38 =	vmul.f32 v40, v1;
	v25 =	vadd.f32 v25, v45;
	[tilespmem:s28+$0xFFFFFF40] =	vst v24  }
0x14c: {  	v26 =	vadd.f32 v26, v29;
	v24 =	vmul.f32 v41, v0;
	[tilespmem:s28+$0xFFFFFFC0] =	vst v28;
	v28 =	vmul.f32 v40, v2  }
.Ltmp4:
0x14d: {  	v35 =	vmul.f32 v41, v2;
	v29 =	vadd.f32 v34, v31;
	v34 =	vmul.f32 v41, v1;
	[tilespmem:s28+$0x40] =	vst v25;
	(pc) =	sbr.rel @p2 .LBB2_6-.Ltmp4, $4  }
0x14e: {  	v36 =	vadd.f32 v32, v36;
	v31 =	vmul.f32 v43, v0;
	v25 =	vmul.f32 v43, v1;
	[tilespmem:s28+$0xFFFFFF50] =	vst v26  }
0x14f: {  	v32 =	vmul.f32 v43, v2;
	v26 =	vmul.f32 v44, v0;
	[tilespmem:s28+$0xFFFFFFD0] =	vst v29;
	v29 =	vadd.f32 v37, v30  }
0x150: {  	v30 =	vmul.f32 v44, v2;
	[tilespmem:s28+$0x50] =	vst v36;
	v36 =	vadd.f32 v38, v33;
	v33 =	vmul.f32 v44, v1  }
0x151: {  	s31 =	sadd.s32 $0x200, s31;
	v37 =	vadd.f32 v28, v39;
	v28 =	vmul.f32 v27, v1;
	[tilespmem:s28+$0xFFFFFF60] =	vst v29;
	v29 =	vmul.f32 v27, v0  }
0x152: {  	[tilespmem:s28+$0xFFFFFFE0] =	vst v36;
	v11 =	vadd.f32 v24, v11  }
0x153: {  	v10 =	vadd.f32 v34, v10;
	[tilespmem:s28+$0x60] =	vst v37  }
0x154: {  	v12 =	vadd.f32 v35, v12;
	[tilespmem:s28+$0xFFFFFF70] =	vst v11  }
0x155: {  	v60 =	vadd.f32 v32, v18;
	[tilespmem:s28+$0xFFFFFFF0] =	vst v10  }
0x156: {  	v61 =	vadd.f32 v30, v23;
	[tilespmem:s28+$0x70] =	vst v12  }
0x157: {  	v11 =	vadd.f32 v31, v13;
	[tilespmem:s28+$0x80] =	vst v60  }
0x158: {  	v10 =	vadd.f32 v25, v15;
	[tilespmem:s28+$0x90] =	vst v61  }
0x159: {  	[tilespmem:s28+$0xFFFFFF80] =	vst v11;
	v11 =	vadd.f32 v26, v21  }
0x15a: {  	[tilespmem:s28+$0x0] =	vst v10;
	v10 =	vadd.f32 v33, v22  }
0x15b: {  	v62 =	vadd.f32 v29, v20;
	[tilespmem:s28+$0xFFFFFF90] =	vst v11;
	v11 =	vmul.f32 v27, v2  }
0x15c: {  	v63 =	vadd.f32 v28, v19;
	[tilespmem:s28+$0x10] =	vst v10;
	v10 =	vmul.f32 v9, v0  }
0x15d: {  	[tilespmem:s29+$0xFFFFFFA0] =	vst v62;
	v9 =	vmul.f32 v9, v1;
	v11 =	vadd.f32 v11, v17  }
0x15e: {  	[tilespmem:s29+$0x20] =	vst v63;
	v10 =	vadd.f32 v10, v16  }
0x15f: {  	v9 =	vadd.f32 v9, v14;
	[tilespmem:s29+$0xA0] =	vst v11  }
0x160: {  	[tilespmem:s29+$0xFFFFFFB0] =	vst v10  }
.Ltmp5:
0x161: {  	[tilespmem:s29+$0x30] =	vst v9;
	(pc) =	sbr.rel @p0 .LBB2_11-.Ltmp5, $4  }
0x162: {  	[hbm4b:s11+s2] =	stream.linear.scatter [tilespmem:s19], [sflag:$0x3], $0x7C00, $0x38;
	[tilespmem:$0x1F480] =	vst v63  }
0x163: {  	_ =	swait.ge [sflag:s23], $0x7C00  }
0x164: {  	[sflag:s23] =	ssyncset.done $0x0  }
0x165: {  	[sflag:s23] =	ssyncadd.s32 $0xFFFF8400  }
0x166: {  	[tilespmem:s15], [sflag:$0x2] =	stream.linear.gather [hbm4b:s12+s2], $0x7C00, $0x38;
	[tilespmem:$0x1F480] =	vst v63  }
0x167: {  	_ =	swait.ge [sflag:s20], $0x7C00  }
0x168: {  	[sflag:s20] =	ssyncset.done $0x0  }
0x169: {  	s29 =	simm.s32 $0x7CC0;
	[sflag:s20] =	ssyncadd.s32 $0xFFFF8400  }
0x16a: {  	v10 =	vld [tilespmem:s29+$0xFFFFFFB0]  }
0x16b: {  	v14 =	vld [tilespmem:s29+$0x30]  }
0x16c: {  	v11 =	vld [tilespmem:s29+$0xFFFFFFC0]  }
0x16d: {  	v9 =	vld [tilespmem:s29+$0xB0]  }
0x16e: {  	v12 =	vld [tilespmem:s29+$0xFFFFFF50]  }
0x16f: {  	v13 =	vld [tilespmem:s29+$0xFFFFFFD0]  }
0x170: {  	v29 =	vld [tilespmem:s29+$0x0];
	v16 =	vmul.f32 v10, v6  }
0x171: {  	v36 =	vld [tilespmem:s29+$0xFFFFFFA0];
	v24 =	vmul.f32 v10, v7;
	v10 =	vmul.f32 v10, v8  }
0x172: {  	v17 =	vmul.f32 v14, v5;
	v18 =	vmul.f32 v11, v3  }
0x173: {  	v19 =	vmul.f32 v11, v4;
	v21 =	vmul.f32 v11, v5  }
0x174: {  	v43 =	vld [tilespmem:s29+$0x50];
	v11 =	vmul.f32 v9, v2;
	v23 =	vmul.f32 v12, v7  }
0x175: {  	v45 =	vld [tilespmem:s29+$0x60];
	v26 =	vmul.f32 v13, v3;
	v27 =	vmul.f32 v13, v4  }
0x176: {  	v15 =	vld [tilespmem:s29+$0xFFFFFF60];
	v35 =	vmul.f32 v29, v3;
	v54 =	vmul.f32 v36, v6  }
0x177: {  	v20 =	vld [tilespmem:s29+$0xFFFFFFE0];
	v42 =	vmul.f32 v36, v7;
	v36 =	vmul.f32 v36, v8  }
0x178: {  	v55 =	vmul.f32 v14, v3;
	v14 =	vmul.f32 v14, v4  }
0x179: {  	v57 =	vmul.f32 v43, v0;
	v58 =	vmul.f32 v43, v1  }
0x17a: {  	v25 =	vld [tilespmem:s29+$0xFFFFFFF0];
	v59 =	vmul.f32 v43, v2;
	v61 =	vmul.f32 v45, v0;
	v10 =	vadd.f32 v17, v10  }
0x17b: {  	v22 =	vld [tilespmem:s29+$0xFFFFFF70];
	v17 =	vmul.f32 v12, v6;
	v30 =	vadd.f32 v27, v23;
	v23 =	vmul.f32 v15, v7  }
0x17c: {  	v27 =	vmul.f32 v20, v4;
	v16 =	vadd.f32 v55, v16;
	v28 =	vadd.f32 v11, v10  }
0x17d: {  	v10 =	vmul.f32 v12, v8;
	v11 =	vmul.f32 v13, v5;
	v26 =	vadd.f32 v26, v17  }
0x17e: {  	v12 =	vmul.f32 v15, v6;
	v17 =	vmul.f32 v20, v3;
	v33 =	vadd.f32 v27, v23  }
0x17f: {  	v13 =	vld [tilespmem:s29+$0xFFFFFF80];
	v23 =	vmul.f32 v25, v4;
	v31 =	vadd.f32 v11, v10;
	v10 =	vmul.f32 v15, v8  }
0x180: {  	v27 =	vld [tilespmem:s29+$0xFFFFFF90];
	v11 =	vmul.f32 v20, v5;
	v32 =	vadd.f32 v17, v12;
	v12 =	vmul.f32 v22, v6  }
0x181: {  	v14 =	vadd.f32 v14, v24;
	v15 =	vmul.f32 v25, v3;
	v17 =	vld [tilespmem:s29+$0xFFFFFF40];
	v20 =	vmul.f32 v22, v7  }
0x182: {  	v22 =	vmul.f32 v22, v8;
	v25 =	vmul.f32 v25, v5;
	v37 =	vadd.f32 v11, v10  }
0x183: {  	v34 =	vld [tilespmem:s29+$0x10];
	v11 =	vadd.f32 v15, v12;
	v10 =	vadd.f32 v23, v20;
	v23 =	vmul.f32 v29, v4  }
0x184: {  	v12 =	vadd.f32 v25, v22;
	v25 =	vmul.f32 v29, v5;
	v15 =	vmul.f32 v13, v6  }
0x185: {  	v30 =	vadd.f32 v58, v30;
	v29 =	vld [tilespmem:s29+$0x20];
	v20 =	vmul.f32 v13, v7;
	v22 =	vmul.f32 v13, v8  }
0x186: {  	v26 =	vadd.f32 v57, v26;
	v53 =	vmul.f32 v27, v7;
	v38 =	vmul.f32 v17, v6  }
0x187: {  	v40 =	vld [tilespmem:s29+$0x40];
	v39 =	vmul.f32 v17, v7;
	v13 =	vadd.f32 v35, v15;
	v17 =	vmul.f32 v17, v8  }
0x188: {  	v15 =	vadd.f32 v23, v20;
	v20 =	vmul.f32 v27, v6;
	v23 =	vmul.f32 v34, v3  }
0x189: {  	s28 =	simm.s32 $0x174C0;
	v56 =	vld [tilespmem:s29+$0x80];
	v27 =	vmul.f32 v27, v8;
	v52 =	vadd.f32 v18, v38;
	v41 =	vadd.f32 v21, v17  }
0x18a: {  	[tilespmem:s28+$0xB0] =	vst v28;
	v28 =	vld [tilespmem:s29+$0x90];
	v17 =	vmul.f32 v34, v5;
	v18 =	vadd.f32 v25, v22;
	v25 =	vmul.f32 v29, v3  }
0x18b: {  	v39 =	vadd.f32 v19, v39;
	v44 =	vmul.f32 v29, v4;
	v29 =	vmul.f32 v29, v5  }
0x18c: {  	v21 =	vadd.f32 v23, v20;
	v23 =	vadd.f32 v17, v27;
	v27 =	vmul.f32 v40, v0  }
0x18d: {  	v62 =	vmul.f32 v45, v1;
	v20 =	vadd.f32 v25, v54;
	v17 =	vadd.f32 v29, v36  }
0x18e: {  	v25 =	vld [tilespmem:s29+$0x70];
	v29 =	vmul.f32 v40, v1;
	v24 =	vadd.f32 v27, v52;
	v27 =	vmul.f32 v40, v2  }
0x18f: {  	[tilespmem:s28+$0xFFFFFF50] =	vst v26;
	v63 =	vadd.f32 v61, v32;
	v32 =	vmul.f32 v56, v2;
	v26 =	vmul.f32 v28, v0  }
0x190: {  	[tilespmem:s28+$0xFFFFFFD0] =	vst v30;
	v30 =	vmul.f32 v28, v2;
	v29 =	vadd.f32 v29, v39;
	v60 =	vadd.f32 v27, v41;
	v27 =	vld [tilespmem:s29+$0xA0]  }
0x191: {  	[tilespmem:s28+$0xFFFFFF60] =	vst v63;
	v19 =	vmul.f32 v34, v4;
	v38 =	vadd.f32 v59, v31;
	v31 =	vmul.f32 v56, v0  }
0x192: {  	v36 =	vadd.f32 v62, v33;
	v33 =	vmul.f32 v28, v1;
	[tilespmem:s28+$0xFFFFFFC0] =	vst v29;
	v29 =	vmul.f32 v45, v2  }
0x193: {  	v22 =	vadd.f32 v19, v53;
	[tilespmem:s28+$0xFFFFFF40] =	vst v24;
	v24 =	vmul.f32 v25, v0;
	v34 =	vmul.f32 v25, v1  }
0x194: {  	v19 =	vadd.f32 v44, v42;
	[tilespmem:s28+$0x50] =	vst v38;
	v35 =	vmul.f32 v25, v2;
	v25 =	vmul.f32 v56, v1  }
0x195: {  	s30 =	simm.s32 $0x0;
	s31 =	simm.s32 $0x7EC0;
	s29 =	simm.s32 $0x174C0;
	[tilespmem:s28+$0x40] =	vst v60;
	v37 =	vadd.f32 v29, v37;
	v29 =	vmul.f32 v27, v0;
	v28 =	vmul.f32 v27, v1  }
.LBB2_9:
0x196: {  	v38 =	vld [tilespmem:s31+$0xFFFFFFB0];
	[tilespmem:s28+$0xFFFFFFE0] =	vst v36;
	v11 =	vadd.f32 v24, v11;
	v27 =	vmul.f32 v27, v2;
	v36 =	vmul.f32 v9, v0  }
0x197: {  	s30 =	sadd.s32 $0x80, s30;
	v10 =	vadd.f32 v34, v10;
	v12 =	vadd.f32 v35, v12;
	v34 =	vmul.f32 v9, v1;
	v24 =	vld [tilespmem:s31+$0x30];
	[tilespmem:s28+$0x60] =	vst v37  }
0x198: {  	p2 =	slt.u32 s30, $0x1E80;
	v35 =	vld [tilespmem:s31+$0xFFFFFFC0];
	[tilespmem:s28+$0xFFFFFF70] =	vst v11;
	v11 =	vadd.f32 v31, v13;
	v13 =	vadd.f32 v25, v15  }
0x199: {  	v15 =	vadd.f32 v26, v21;
	v9 =	vld [tilespmem:s31+$0xB0];
	[tilespmem:s28+$0xFFFFFFF0] =	vst v10;
	v10 =	vadd.f32 v32, v18  }
0x19a: {  	v21 =	vadd.f32 v30, v23;
	v18 =	vld [tilespmem:s31+$0xFFFFFF50];
	[tilespmem:s28+$0x70] =	vst v12;
	v12 =	vadd.f32 v33, v22  }
0x19b: {  	v22 =	vld [tilespmem:s31+$0xFFFFFFD0];
	v25 =	vmul.f32 v38, v6;
	v26 =	vmul.f32 v38, v7;
	[tilespmem:s28+$0xFFFFFF80] =	vst v11;
	v11 =	vadd.f32 v29, v20  }
0x19c: {  	v23 =	vmul.f32 v38, v8;
	v20 =	vld [tilespmem:s31+$0xFFFFFF60];
	v29 =	vmul.f32 v24, v5;
	[tilespmem:s28+$0x0] =	vst v13;
	v13 =	vadd.f32 v28, v19  }
0x19d: {  	v19 =	vmul.f32 v35, v3;
	v28 =	vmul.f32 v35, v4;
	v30 =	vld [tilespmem:s31+$0xFFFFFFE0];
	[tilespmem:s28+$0x80] =	vst v10;
	v10 =	vadd.f32 v27, v17  }
0x19e: {  	v17 =	vmul.f32 v35, v5;
	v27 =	vld [tilespmem:s31+$0xFFFFFF70];
	v23 =	vadd.f32 v29, v23;
	v29 =	vmul.f32 v9, v2;
	[tilespmem:s28+$0xFFFFFF90] =	vst v15  }
0x19f: {  	v15 =	vmul.f32 v18, v6;
	v31 =	vmul.f32 v18, v7;
	v32 =	vld [tilespmem:s31+$0xFFFFFFF0];
	[tilespmem:s28+$0x10] =	vst v12;
	v12 =	vadd.f32 v36, v16  }
0x1a0: {  	v16 =	vmul.f32 v22, v3;
	v33 =	vmul.f32 v22, v4;
	v35 =	vld [tilespmem:s31+$0xFFFFFF80];
	v23 =	vadd.f32 v29, v23;
	[tilespmem:s28+$0x90] =	vst v21  }
0x1a1: {  	v18 =	vmul.f32 v18, v8;
	v21 =	vmul.f32 v22, v5;
	s28 =	sadd.s32 $0x200, s28;
	v22 =	vld [tilespmem:s31+$0x0];
	[tilespmem:s29+$0xFFFFFFA0] =	vst v11;
	v11 =	vadd.f32 v34, v14  }
0x1a2: {  	v14 =	vmul.f32 v20, v6;
	v29 =	vadd.f32 v16, v15;
	v15 =	vmul.f32 v30, v3;
	v16 =	vld [tilespmem:s31+$0xFFFFFF90];
	[tilespmem:s28+$0xB0] =	vst v23  }
0x1a3: {  	v31 =	vadd.f32 v33, v31;
	v23 =	vmul.f32 v20, v7;
	v33 =	vmul.f32 v30, v4;
	v34 =	vld [tilespmem:s31+$0x10];
	[tilespmem:s29+$0x20] =	vst v13  }
0x1a4: {  	v36 =	vadd.f32 v21, v18;
	v18 =	vmul.f32 v30, v5;
	v13 =	vmul.f32 v20, v8;
	v20 =	vld [tilespmem:s31+$0xFFFFFFA0];
	[tilespmem:s29+$0xA0] =	vst v10  }
0x1a5: {  	v30 =	vadd.f32 v15, v14;
	v10 =	vmul.f32 v27, v6;
	v14 =	vmul.f32 v32, v3;
	v37 =	vld [tilespmem:s31+$0x20];
	[tilespmem:s29+$0xFFFFFFB0] =	vst v12  }
0x1a6: {  	v33 =	vadd.f32 v33, v23;
	v21 =	vmul.f32 v32, v4;
	v12 =	vmul.f32 v27, v7;
	v15 =	vld [tilespmem:s31+$0xFFFFFF40];
	[tilespmem:s29+$0x30] =	vst v11;
	s29 =	smov.u32 s28  }
0x1a7: {  	v39 =	vadd.f32 v18, v13;
	v13 =	vmul.f32 v27, v8;
	v18 =	vmul.f32 v32, v5;
	v38 =	vld [tilespmem:s31+$0x40]  }
0x1a8: {  	v11 =	vadd.f32 v14, v10;
	v14 =	vmul.f32 v35, v6;
	v23 =	vmul.f32 v22, v3;
	v32 =	vld [tilespmem:s31+$0x50]  }
0x1a9: {  	v27 =	vmul.f32 v22, v4;
	v10 =	vadd.f32 v21, v12;
	v21 =	vmul.f32 v35, v7;
	v40 =	vld [tilespmem:s31+$0x60]  }
0x1aa: {  	v22 =	vmul.f32 v22, v5;
	v12 =	vadd.f32 v18, v13;
	v18 =	vmul.f32 v35, v8;
	v41 =	vld [tilespmem:s31+$0x70]  }
0x1ab: {  	v13 =	vadd.f32 v23, v14;
	v35 =	vmul.f32 v15, v6;
	v42 =	vmul.f32 v15, v7;
	v43 =	vld [tilespmem:s31+$0x80]  }
0x1ac: {  	v14 =	vmul.f32 v15, v8;
	v15 =	vadd.f32 v27, v21;
	v21 =	vmul.f32 v16, v6;
	v44 =	vld [tilespmem:s31+$0x90]  }
0x1ad: {  	v23 =	vmul.f32 v16, v7;
	v35 =	vadd.f32 v19, v35;
	v19 =	vmul.f32 v34, v3;
	v27 =	vld [tilespmem:s31+$0xA0]  }
0x1ae: {  	v16 =	vmul.f32 v16, v8;
	v28 =	vadd.f32 v28, v42;
	v42 =	vmul.f32 v34, v4  }
0x1af: {  	v45 =	vadd.f32 v17, v14;
	v14 =	vmul.f32 v34, v5;
	v17 =	vmul.f32 v20, v6  }
0x1b0: {  	v18 =	vadd.f32 v22, v18;
	v46 =	vmul.f32 v20, v7;
	v34 =	vmul.f32 v37, v3  }
0x1b1: {  	v47 =	vmul.f32 v20, v8;
	v21 =	vadd.f32 v19, v21;
	v19 =	vmul.f32 v37, v4  }
0x1b2: {  	v22 =	vadd.f32 v42, v23;
	v37 =	vmul.f32 v37, v5;
	v42 =	vmul.f32 v24, v3  }
0x1b3: {  	v23 =	vadd.f32 v14, v16;
	v20 =	vadd.f32 v34, v17;
	v14 =	vmul.f32 v24, v4  }
0x1b4: {  	v24 =	vmul.f32 v38, v0;
	v19 =	vadd.f32 v19, v46;
	v17 =	vadd.f32 v37, v47  }
0x1b5: {  	v34 =	vmul.f32 v38, v1;
	v16 =	vadd.f32 v42, v25;
	v14 =	vadd.f32 v14, v26  }
0x1b6: {  	v24 =	vadd.f32 v24, v35;
	v25 =	vmul.f32 v38, v2;
	v26 =	vmul.f32 v32, v0  }
0x1b7: {  	v28 =	vadd.f32 v34, v28;
	v34 =	vmul.f32 v32, v1;
	v32 =	vmul.f32 v32, v2  }
0x1b8: {  	v37 =	vmul.f32 v40, v0;
	v38 =	vmul.f32 v40, v1;
	v25 =	vadd.f32 v25, v45;
	[tilespmem:s28+$0xFFFFFF40] =	vst v24  }
0x1b9: {  	v26 =	vadd.f32 v26, v29;
	v24 =	vmul.f32 v41, v0;
	[tilespmem:s28+$0xFFFFFFC0] =	vst v28;
	v28 =	vmul.f32 v40, v2  }
.Ltmp6:
0x1ba: {  	v35 =	vmul.f32 v41, v2;
	v29 =	vadd.f32 v34, v31;
	v34 =	vmul.f32 v41, v1;
	[tilespmem:s28+$0x40] =	vst v25;
	(pc) =	sbr.rel @p2 .LBB2_9-.Ltmp6, $4  }
0x1bb: {  	v36 =	vadd.f32 v32, v36;
	v31 =	vmul.f32 v43, v0;
	v25 =	vmul.f32 v43, v1;
	[tilespmem:s28+$0xFFFFFF50] =	vst v26  }
0x1bc: {  	v32 =	vmul.f32 v43, v2;
	v26 =	vmul.f32 v44, v0;
	[tilespmem:s28+$0xFFFFFFD0] =	vst v29;
	v29 =	vadd.f32 v37, v30  }
0x1bd: {  	v30 =	vmul.f32 v44, v2;
	[tilespmem:s28+$0x50] =	vst v36;
	v36 =	vadd.f32 v38, v33;
	v33 =	vmul.f32 v44, v1  }
0x1be: {  	s31 =	sadd.s32 $0x200, s31;
	v37 =	vadd.f32 v28, v39;
	v28 =	vmul.f32 v27, v1;
	[tilespmem:s28+$0xFFFFFF60] =	vst v29;
	v29 =	vmul.f32 v27, v0  }
0x1bf: {  	[tilespmem:s28+$0xFFFFFFE0] =	vst v36;
	v11 =	vadd.f32 v24, v11  }
0x1c0: {  	v10 =	vadd.f32 v34, v10;
	[tilespmem:s28+$0x60] =	vst v37  }
0x1c1: {  	v12 =	vadd.f32 v35, v12;
	[tilespmem:s28+$0xFFFFFF70] =	vst v11  }
0x1c2: {  	v60 =	vadd.f32 v32, v18;
	[tilespmem:s28+$0xFFFFFFF0] =	vst v10  }
0x1c3: {  	v61 =	vadd.f32 v30, v23;
	[tilespmem:s28+$0x70] =	vst v12  }
0x1c4: {  	v11 =	vadd.f32 v31, v13;
	[tilespmem:s28+$0x80] =	vst v60  }
0x1c5: {  	v10 =	vadd.f32 v25, v15;
	[tilespmem:s28+$0x90] =	vst v61  }
0x1c6: {  	[tilespmem:s28+$0xFFFFFF80] =	vst v11;
	v11 =	vadd.f32 v26, v21  }
0x1c7: {  	[tilespmem:s28+$0x0] =	vst v10;
	v10 =	vadd.f32 v33, v22  }
0x1c8: {  	v62 =	vadd.f32 v29, v20;
	[tilespmem:s28+$0xFFFFFF90] =	vst v11;
	v11 =	vmul.f32 v27, v2  }
0x1c9: {  	v63 =	vadd.f32 v28, v19;
	[tilespmem:s28+$0x10] =	vst v10;
	v10 =	vmul.f32 v9, v0  }
0x1ca: {  	[tilespmem:s29+$0xFFFFFFA0] =	vst v62;
	v9 =	vmul.f32 v9, v1;
	v11 =	vadd.f32 v11, v17  }
0x1cb: {  	[tilespmem:s29+$0x20] =	vst v63;
	v10 =	vadd.f32 v10, v16  }
0x1cc: {  	v9 =	vadd.f32 v9, v14;
	[tilespmem:s29+$0xA0] =	vst v11  }
0x1cd: {  	[tilespmem:s29+$0xFFFFFFB0] =	vst v10  }
0x1ce: {  	[tilespmem:s29+$0x30] =	vst v9  }
0x1cf: {  	[hbm4b:s13+s2] =	stream.linear.scatter [tilespmem:s21], [sflag:$0x4], $0x7C00, $0x38;
	[tilespmem:$0x1F480] =	vst v63  }
0x1d0: {  	_ =	swait.ge [sflag:s23], $0x7C00  }
0x1d1: {  	[sflag:s23] =	ssyncset.done $0x0  }
0x1d2: {  	[sflag:s23] =	ssyncadd.s32 $0xFFFF8400  }
.LBB2_11:
.Ltmp7:
0x1d3: {  	(pc) =	sbr.rel @p1 .LBB2_13-.Ltmp7, $1  }
0x1d4: {  	_ =	sdelay $0x3  }
0x1d5: {  	[tilespmem:s24], [sflag:$0x5] =	stream.linear.gather [hbm4b:s3+s2], $0x180, $0x38;
	[tilespmem:$0x1F480] =	vst v63  }
0x1d6: {  	_ =	swait.ge [sflag:s17], $0x180  }
0x1d7: {  	[sflag:s17] =	ssyncset.done $0x0  }
0x1d8: {  	[sflag:s17] =	ssyncadd.s32 $0xFFFFFE80  }
0x1d9: {  	v9 =	vld [tilespmem:$0x1F000]  }
0x1da: {  	v10 =	vld [tilespmem:$0x1F080]  }
0x1db: {  	v11 =	vld [tilespmem:$0x1F100];
	_ =	sdelay $0x1  }
0x1dc: {  	v12 =	vld [tilespmem:$0x1F010]  }
0x1dd: {  	v13 =	vld [tilespmem:$0x1F090];
	v14 =	vmul.f32 v9, v6  }
0x1de: {  	v16 =	vld [tilespmem:$0x1F110];
	v15 =	vmul.f32 v10, v3;
	v17 =	vmul.f32 v9, v7  }
0x1df: {  	v18 =	vmul.f32 v10, v4;
	v31 =	vmul.f32 v11, v0  }
0x1e0: {  	v19 =	vmul.f32 v11, v1;
	v9 =	vmul.f32 v9, v8  }
0x1e1: {  	v33 =	vld [tilespmem:$0x1F020];
	v10 =	vmul.f32 v10, v5;
	v11 =	vmul.f32 v11, v2  }
0x1e2: {  	v21 =	vld [tilespmem:$0x1F0A0];
	v32 =	vmul.f32 v12, v6;
	v34 =	vmul.f32 v13, v3  }
0x1e3: {  	v36 =	vld [tilespmem:$0x1F120];
	v20 =	vmul.f32 v16, v0;
	v35 =	vmul.f32 v12, v7  }
0x1e4: {  	v22 =	vmul.f32 v13, v4;
	v12 =	vmul.f32 v12, v8  }
0x1e5: {  	v39 =	vld [tilespmem:$0x1F030];
	v13 =	vmul.f32 v13, v5;
	v37 =	vmul.f32 v16, v1  }
0x1e6: {  	v38 =	vmul.f32 v16, v2;
	v40 =	vmul.f32 v33, v6  }
0x1e7: {  	v41 =	vmul.f32 v21, v3;
	v43 =	vmul.f32 v33, v7  }
0x1e8: {  	v42 =	vld [tilespmem:$0x1F0B0];
	v23 =	vmul.f32 v21, v4;
	v44 =	vmul.f32 v36, v0  }
0x1e9: {  	v45 =	vmul.f32 v36, v1;
	v46 =	vmul.f32 v33, v8;
	v14 =	vadd.f32 v15, v14  }
0x1ea: {  	v47 =	vmul.f32 v21, v5;
	v49 =	vmul.f32 v39, v6;
	v17 =	vadd.f32 v18, v17  }
0x1eb: {  	v24 =	vld [tilespmem:$0x1F130];
	v50 =	vmul.f32 v39, v7;
	v9 =	vadd.f32 v10, v9;
	v14 =	vadd.f32 v31, v14  }
0x1ec: {  	v52 =	vmul.f32 v39, v8;
	v15 =	vadd.f32 v34, v32;
	v17 =	vadd.f32 v19, v17  }
0x1ed: {  	v53 =	vmul.f32 v42, v3;
	v10 =	vadd.f32 v22, v35;
	v9 =	vadd.f32 v11, v9;
	[tilespmem:$0x1F200] =	vst v14  }
0x1ee: {  	v55 =	vmul.f32 v36, v2;
	v12 =	vadd.f32 v13, v12;
	v15 =	vadd.f32 v20, v15;
	[tilespmem:$0x1F280] =	vst v17  }
0x1ef: {  	v56 =	vmul.f32 v42, v4;
	v13 =	vadd.f32 v23, v43;
	v10 =	vadd.f32 v37, v10;
	[tilespmem:$0x1F300] =	vst v9  }
0x1f0: {  	v57 =	vmul.f32 v24, v0;
	v54 =	vadd.f32 v47, v46;
	v12 =	vadd.f32 v38, v12;
	[tilespmem:$0x1F210] =	vst v15  }
0x1f1: {  	v58 =	vmul.f32 v42, v5;
	v3 =	vadd.f32 v53, v49;
	v51 =	vadd.f32 v45, v13;
	[tilespmem:$0x1F290] =	vst v10  }
0x1f2: {  	v60 =	vmul.f32 v24, v1;
	v4 =	vadd.f32 v56, v50;
	v59 =	vadd.f32 v55, v54;
	[tilespmem:$0x1F310] =	vst v12  }
0x1f3: {  	v62 =	vmul.f32 v24, v2;
	v61 =	vadd.f32 v58, v52;
	v0 =	vadd.f32 v57, v3;
	[tilespmem:$0x1F2A0] =	vst v51  }
0x1f4: {  	v11 =	vadd.f32 v41, v40;
	v1 =	vadd.f32 v60, v4;
	[tilespmem:$0x1F320] =	vst v59  }
0x1f5: {  	v63 =	vadd.f32 v62, v61;
	[tilespmem:$0x1F230] =	vst v0  }
0x1f6: {  	v48 =	vadd.f32 v44, v11;
	[tilespmem:$0x1F2B0] =	vst v1  }
0x1f7: {  	[tilespmem:$0x1F330] =	vst v63  }
.Ltmp8:
0x1f8: {  	[tilespmem:$0x1F220] =	vst v48;
	(pc) =	sbr.rel .LBB2_13-.Ltmp8, $4  }
0x1f9: {  	[hbm4b:s5+s2] =	stream.linear.scatter [tilespmem:s25], [sflag:$0x5], $0x180, $0x38;
	[tilespmem:$0x1F480] =	vst v63  }
0x1fa: {  	_ =	swait.ge [sflag:s17], $0x180  }
0x1fb: {  	[sflag:s17] =	ssyncset.done $0x0  }
0x1fc: {  	[sflag:s17] =	ssyncadd.s32 $0xFFFFFE80  }
.LBB2_14:
0x1fd: {  	_ =	sfence.sel $0x180000  }
0x1fe: {  	[bflag:$0x0] =	sbarrier.arrive $0xFFFF  }
0x1ff: {  	p0 =	sne.s32 s1, $0x0;
	_ =	strace $0x90000047  }
0x200: {  	s0 =	sadd.s32 @!p0 $0x100000, s0;
	[bflag:$0x2] =	sbarrier.arrive $0xFFFF  }
0x201: {  	[sflag:s0] =	ssyncadd.tile.s32 @!p0 $0x1;
	_ =	shalt  }
.Lfunc_end2:
_tile_overlayer_lowered:
.L_overlay_start_2:
0x202: {  	(tag) =	ssettag $0x2  }
0x203: {  	s0 =	rddreg [dreg:$0x0];
	s2 =	stileid.u32  }
0x204: {  	s1 =	rddreg [dreg:$0x1];
	p0 =	sne.s32 s2, $0x0  }
0x205: {  	s3 =	rddreg [dreg:$0x2];
	[bflag:$0x3] =	sbarrier.arrive $0xFFFF;
	s2 =	simm.s32 @!p0 $0x1C05  }
0x206: {  	[timem:s3], [sflag:s2] =	dma.local @!p0 [hbm:s0], s1  }
0x207: {  	s0 =	simm.s32 @!p0 $0x5  }
0x208: {  	_ =	swait.ge @!p0 [sflag:s0], s1  }
0x209: {  	s1 =	ssub.s32 @!p0 $0x0, s1;
	[sflag:s0] =	ssyncset.done @!p0 $0x0  }
0x20a: {  	[sflag:s0] =	ssyncadd.s32 @!p0 s1  }
0x20b: {  	[bflag:$0x3] =	sbarrier.arrive $0xFFFF  }
0x20c: {  	_ =	shalt  }

</sc_bundles>
